<compile_context>
chip_gen: v7x
topology: tpu7x:2x2x1
jax: 0.10.2.dev20260603
libtpu: 0.0.44.dev20260713+nightly
codegen_flags: <defaults>
</compile_context>

<pallas_src>
import dataclasses
import functools

import jax
import jax.numpy as jnp
from jax import lax
from jax.experimental import pallas as pl
from jax.experimental.pallas import tpu as pltpu
from jax.experimental.pallas import tpu_sc as plsc

EMB = 128
N_CAND = 100000
N_ENT = 100000
N_REL = 1000

NC, NS = 2, 16
NW = NC * NS
CHUNK = 3120
CHUNK_LAST = N_CAND - (NW - 1) * CHUNK

ENT_BLK = 20480


def _scores_body(ent_emb_ref, hist_ref, w1_ref, b1_ref, w2_ref, b2_ref,
                 rel_ref, ent_ref, ent_o, rel_o, f2_scr):
    i = pl.program_id(0)

    @pl.when(i == 0)
    def _():
        feat = jnp.concatenate([ent_emb_ref[...], hist_ref[...]], axis=1)
        h = jnp.maximum(
            jnp.dot(feat, w1_ref[...], preferred_element_type=jnp.float32)
            + b1_ref[...], 0.0)
        feature = jnp.maximum(
            jnp.dot(h, w2_ref[...], preferred_element_type=jnp.float32)
            + b2_ref[...], 0.0)
        f2_scr[...] = feature[:, EMB:]
        rel_o[...] = lax.dot_general(
            feature[:, :EMB], rel_ref[...], (((1,), (1,)), ((), ())),
            preferred_element_type=jnp.float32)[0]

    ent_o[...] = lax.dot_general(
        f2_scr[...], ent_ref[...], (((1,), (1,)), ((), ())),
        preferred_element_type=jnp.float32)[0]


def _scores(ent_emb, history_vector, W1, b1, W2, b2, rel_table, ent_table):
    nb = pl.cdiv(N_ENT, ENT_BLK)
    return pl.pallas_call(
        _scores_body,
        grid=(nb,),
        in_specs=[
            pl.BlockSpec((1, EMB), lambda i: (0, 0)),
            pl.BlockSpec((1, EMB), lambda i: (0, 0)),
            pl.BlockSpec((2 * EMB, 2 * EMB), lambda i: (0, 0)),
            pl.BlockSpec((1, 2 * EMB), lambda i: (0, 0)),
            pl.BlockSpec((2 * EMB, 2 * EMB), lambda i: (0, 0)),
            pl.BlockSpec((1, 2 * EMB), lambda i: (0, 0)),
            pl.BlockSpec((N_REL, EMB), lambda i: (0, 0)),
            pl.BlockSpec((ENT_BLK, EMB), lambda i: (i, 0)),
        ],
        out_specs=(
            pl.BlockSpec((ENT_BLK,), lambda i: (i,)),
            pl.BlockSpec((N_REL,), lambda i: (0,)),
        ),
        out_shape=(
            jax.ShapeDtypeStruct((N_ENT,), jnp.float32),
            jax.ShapeDtypeStruct((N_REL,), jnp.float32),
        ),
        scratch_shapes=[pltpu.VMEM((1, EMB), jnp.float32)],
    )(ent_emb.reshape(1, EMB), history_vector.reshape(1, EMB),
      W1, b1.reshape(1, 2 * EMB), W2, b2.reshape(1, 2 * EMB),
      rel_table, ent_table)


def _sc_choices(rel_scores, ent_scores, rel_ids, to_ids):
    mesh = plsc.VectorSubcoreMesh(core_axis_name="c", subcore_axis_name="s")
    cp = pltpu.CompilerParams()
    if "needs_layout_passes" in pltpu.CompilerParams.__dataclass_fields__:
        cp = dataclasses.replace(cp, needs_layout_passes=False)

    @functools.partial(
        pl.kernel,
        mesh=mesh,
        compiler_params=cp,
        out_type=jax.ShapeDtypeStruct((N_CAND,), jnp.float32),
        scratch_types=[
            pltpu.VMEM((N_REL,), jnp.float32),
            pltpu.VMEM((CHUNK_LAST,), jnp.int32),
            pltpu.VMEM((CHUNK_LAST,), jnp.int32),
            pltpu.VMEM((CHUNK_LAST,), jnp.float32),
            pltpu.VMEM((CHUNK_LAST,), jnp.float32),
            pltpu.SemaphoreType.DMA,
            pltpu.SemaphoreType.DMA,
            pltpu.SemaphoreType.DMA,
            pltpu.SemaphoreType.DMA,
        ],
    )
    def k(rel_hbm, ent_hbm, rid_hbm, tid_hbm, out_hbm,
          rel_v, rid_v, tid_v, vals_v, out_v, sem, sem_rel, sem_rid, sem_tid):
        wid = lax.axis_index("s") * NC + lax.axis_index("c")
        base = wid * CHUNK

        def do(nc):
            rel_cp = pltpu.async_copy(rel_hbm, rel_v, sem_rel)
            rid_cp = pltpu.async_copy(rid_hbm.at[pl.ds(base, nc)],
                                      rid_v.at[pl.ds(0, nc)], sem_rid)
            tid_cp = pltpu.async_copy(tid_hbm.at[pl.ds(base, nc)],
                                      tid_v.at[pl.ds(0, nc)], sem_tid)
            tid_cp.wait()
            copies = []
            for c in range(0, nc, 128):
                sz = min(128, nc - c)
                copies.append(pltpu.async_copy(
                    ent_hbm.at[tid_v.at[pl.ds(c, sz)]],
                    vals_v.at[pl.ds(c, sz)], sem))
            rel_cp.wait()
            rid_cp.wait()
            for cp_ in copies:
                cp_.wait()

            @pl.loop(0, nc, step=16)
            def _(i):
                ri = rid_v[pl.ds(i, 16)]
                rs = plsc.load_gather(rel_v, [ri])
                out_v[pl.ds(i, 16)] = vals_v[pl.ds(i, 16)] + rs

            pltpu.sync_copy(out_v.at[pl.ds(0, nc)],
                            out_hbm.at[pl.ds(base, nc)])

        @pl.when(wid < NW - 1)
        def _():
            do(CHUNK)

        @pl.when(wid == NW - 1)
        def _():
            do(CHUNK_LAST)

    return k(rel_scores, ent_scores, rel_ids, to_ids)


def _softmax_body(x_ref, o_ref):
    x = x_ref[...]
    m = jnp.max(x)
    e = jnp.exp(x - m)
    s = jnp.sum(e)
    o_ref[...] = e * (1.0 / s)


def _softmax(choices):
    return pl.pallas_call(
        _softmax_body,
        out_shape=jax.ShapeDtypeStruct((N_CAND,), jnp.float32),
    )(choices)


def kernel(ent_emb, history_vector, candidate_rel_ids, candidate_to_ids,
           rel_table, ent_table, W1, b1, W2, b2):
    ent_scores, rel_scores = _scores(ent_emb, history_vector, W1, b1, W2, b2,
                                     rel_table, ent_table)
    choices = _sc_choices(rel_scores, ent_scores,
                          candidate_rel_ids.astype(jnp.int32),
                          candidate_to_ids.astype(jnp.int32))
    return _softmax(choices)

# --- scband reference (transcript-rebuilt; emitter-appended) ---
"""Pipeline reference for scband-lstmfinder-28243704938952 (READ-ONLY COPY).

The authoritative reference and input builder live on the scoring server;
editing this copy changes nothing except your own understanding.
"""

import jax, jax.numpy as jnp
import numpy as np

EMB = 128
N_CAND = 100000
N_ENT = 100000
N_REL = 1000


def setup_inputs(seed: int = 0) -> dict:
    key = jax.random.key(seed)
    ks = jax.random.split(key, 10)
    return {
        "ent_emb": jax.random.normal(ks[0], (EMB,), dtype=jnp.float32),
        "history_vector": jax.random.normal(ks[1], (EMB,), dtype=jnp.float32),
        "candidate_rel_ids": jax.random.randint(ks[2], (N_CAND,), 0, N_REL),
        "candidate_to_ids": jax.random.randint(ks[3], (N_CAND,), 0, N_ENT),
        "rel_table": jax.random.normal(ks[4], (N_REL, EMB), dtype=jnp.float32) * 0.05,
        "ent_table": jax.random.normal(ks[5], (N_ENT, EMB), dtype=jnp.float32) * 0.05,
        "W1": jax.random.normal(ks[6], (2 * EMB, 2 * EMB), dtype=jnp.float32) * 0.05,
        "b1": jnp.zeros((2 * EMB,), dtype=jnp.float32),
        "W2": jax.random.normal(ks[7], (2 * EMB, 2 * EMB), dtype=jnp.float32) * 0.05,
        "b2": jnp.zeros((2 * EMB,), dtype=jnp.float32),
    }


def reference(ent_emb, history_vector, candidate_rel_ids, candidate_to_ids,
              rel_table, ent_table, W1, b1, W2, b2):
    # prior_mlp: feature = Dense(2E, relu)(Dense(2E, relu)(concat(ent_emb, history)))
    feat_in = jnp.concatenate([ent_emb, history_vector])  # [2E]
    h = jax.nn.relu(feat_in @ W1 + b1)
    feature = jax.nn.relu(h @ W2 + b2)  # [2E]
    # candidate embeddings: concat(vec_of_rel(rel_id), vec_of_ent(to_id)) per candidate
    rel_emb = jnp.take(rel_table, candidate_rel_ids, axis=0)  # [N, E]
    to_emb = jnp.take(ent_table, candidate_to_ids, axis=0)    # [N, E]
    candidates_emb = jnp.concatenate([rel_emb, to_emb], axis=1)  # [N, 2E]
    # choices = dot([candidates_emb, feature], axes=1)
    choices = candidates_emb @ feature  # [N]
    probabilities = jax.nn.softmax(choices.reshape(1, -1), axis=-1)
    return probabilities[0]

if __name__ == "__main__":
    import jax
    _d = setup_inputs()
    print(jax.jit(kernel)(*tuple(_d.values())))

</pallas_src>

<mosaic_0001>
#map = affine_map<(d0, d1) -> (0)>
module attributes {stable_mosaic.version = 14 : i64} {
  func.func @k(%arg0: i32, %arg1: i32, %arg2: memref<1000xf32, #tpu.memory_space<hbm>>, %arg3: memref<100000xf32, #tpu.memory_space<hbm>>, %arg4: memref<100000xi32, #tpu.memory_space<hbm>>, %arg5: memref<100000xi32, #tpu.memory_space<hbm>>, %arg6: memref<100000xf32, #tpu.memory_space<hbm>>, %arg7: memref<1000xf32, #tpu.memory_space<vmem>>, %arg8: memref<3280xi32, #tpu.memory_space<vmem>>, %arg9: memref<3280xi32, #tpu.memory_space<vmem>>, %arg10: memref<3280xf32, #tpu.memory_space<vmem>>, %arg11: memref<3280xf32, #tpu.memory_space<vmem>>, %arg12: memref<!tpu.dma_semaphore, #tpu.memory_space<semaphore_mem>>, %arg13: memref<!tpu.dma_semaphore, #tpu.memory_space<semaphore_mem>>, %arg14: memref<!tpu.dma_semaphore, #tpu.memory_space<semaphore_mem>>, %arg15: memref<!tpu.dma_semaphore, #tpu.memory_space<semaphore_mem>>) attributes {dimension_semantics = [#tpu.dimension_semantics<core_parallel>, #tpu.dimension_semantics<subcore_parallel>], iteration_bounds = array<i64: 2, 16>, scalar_prefetch = 0 : i64, scratch_operands = 9 : i64, tpu.core_type = #tpu.core_type<sc_vector_subcore>, window_params = [{transform_indices = #map}, {transform_indices = #map}, {transform_indices = #map}, {transform_indices = #map}, {transform_indices = #map}]} {
    %mul3A = arith.constant 2 : i32
    %mul3A_0 = arith.muli %arg1, %mul3A : i32
    %add3A = arith.addi %mul3A_0, %arg0 : i32
    %mul3A_1 = arith.constant 3120 : i32
    %mul3A_2 = arith.muli %add3A, %mul3A_1 : i32
    %lt3A = arith.constant 31 : i32
    %lt3A_3 = arith.cmpi slt, %add3A, %lt3A : i32
    %convert_element_type3A = arith.extui %lt3A_3 : i1 to i32
    %cond3A = arith.constant 0 : i32
    %cond3A_4 = arith.cmpi ne, %convert_element_type3A, %cond3A : i32
    scf.if %cond3A_4 {
      tpu.enqueue_dma source(%arg2 : memref<1000xf32, #tpu.memory_space<hbm>>) target(%arg7 : memref<1000xf32, #tpu.memory_space<vmem>>) target_semaphore(%arg13 : memref<!tpu.dma_semaphore, #tpu.memory_space<semaphore_mem>>)
      %dma_start3A = arith.constant 0 : i32
      %dma_start3A_9 = tpu.memref_slice %arg8[%dma_start3A] : memref<3280xi32, #tpu.memory_space<vmem>> -> memref<3120xi32, #tpu.memory_space<vmem>>
      %dma_start3A_10 = tpu.memref_slice %arg4[%mul3A_2] : memref<100000xi32, #tpu.memory_space<hbm>> -> memref<3120xi32, #tpu.memory_space<hbm>>
      %dma_start3A_11 = arith.constant 0 : i32
      %dma_start3A_12 = tpu.memref_slice %arg8[%dma_start3A_11] : memref<3280xi32, #tpu.memory_space<vmem>> -> memref<3120xi32, #tpu.memory_space<vmem>>
      %dma_start3A_13 = tpu.memref_slice %arg4[%mul3A_2] : memref<100000xi32, #tpu.memory_space<hbm>> -> memref<3120xi32, #tpu.memory_space<hbm>>
      tpu.enqueue_dma source(%dma_start3A_13 : memref<3120xi32, #tpu.memory_space<hbm>>) target(%dma_start3A_12 : memref<3120xi32, #tpu.memory_space<vmem>>) target_semaphore(%arg14 : memref<!tpu.dma_semaphore, #tpu.memory_space<semaphore_mem>>)
      %dma_start3A_14 = arith.constant 0 : i32
      %dma_start3A_15 = tpu.memref_slice %arg9[%dma_start3A_14] : memref<3280xi32, #tpu.memory_space<vmem>> -> memref<3120xi32, #tpu.memory_space<vmem>>
      %dma_start3A_16 = tpu.memref_slice %arg5[%mul3A_2] : memref<100000xi32, #tpu.memory_space<hbm>> -> memref<3120xi32, #tpu.memory_space<hbm>>
      %dma_start3A_17 = arith.constant 0 : i32
      %dma_start3A_18 = tpu.memref_slice %arg9[%dma_start3A_17] : memref<3280xi32, #tpu.memory_space<vmem>> -> memref<3120xi32, #tpu.memory_space<vmem>>
      %dma_start3A_19 = tpu.memref_slice %arg5[%mul3A_2] : memref<100000xi32, #tpu.memory_space<hbm>> -> memref<3120xi32, #tpu.memory_space<hbm>>
      tpu.enqueue_dma source(%dma_start3A_19 : memref<3120xi32, #tpu.memory_space<hbm>>) target(%dma_start3A_18 : memref<3120xi32, #tpu.memory_space<vmem>>) target_semaphore(%arg15 : memref<!tpu.dma_semaphore, #tpu.memory_space<semaphore_mem>>)
      %dma_wait3A = arith.constant 0 : i32
      %dma_wait3A_20 = tpu.memref_slice %arg9[%dma_wait3A] : memref<3280xi32, #tpu.memory_space<vmem>> -> memref<3120xi32, #tpu.memory_space<vmem>>
      %dma_wait3A_21 = tpu.memref_slice %arg5[%mul3A_2] : memref<100000xi32, #tpu.memory_space<hbm>> -> memref<3120xi32, #tpu.memory_space<hbm>>
      %dma_wait3A_22 = arith.constant 0 : i32
      %dma_wait3A_23 = tpu.memref_slice %arg9[%dma_wait3A_22] : memref<3280xi32, #tpu.memory_space<vmem>> -> memref<3120xi32, #tpu.memory_space<vmem>>
      %dma_wait3A_24 = tpu.memref_slice %arg5[%mul3A_2] : memref<100000xi32, #tpu.memory_space<hbm>> -> memref<3120xi32, #tpu.memory_space<hbm>>
      tpu.wait_dma2 semaphore(%arg15 : memref<!tpu.dma_semaphore, #tpu.memory_space<semaphore_mem>>) src(%dma_wait3A_24 : memref<3120xi32, #tpu.memory_space<hbm>>) dst(%dma_wait3A_23 : memref<3120xi32, #tpu.memory_space<vmem>>)
      %dma_start3A_25 = arith.constant 0 : i32
      %dma_start3A_26 = tpu.memref_slice %arg10[%dma_start3A_25] : memref<3280xf32, #tpu.memory_space<vmem>> -> memref<128xf32, #tpu.memory_space<vmem>>
      %dma_start3A_27 = arith.constant 0 : i32
      %dma_start3A_28 = tpu.memref_slice %arg9[%dma_start3A_27] : memref<3280xi32, #tpu.memory_space<vmem>> -> memref<128xi32, #tpu.memory_space<vmem>>
      %dma_start3A_29 = arith.constant 0 : i32
      %dma_start3A_30 = tpu.memref_slice %arg3[%dma_start3A_29] : memref<100000xf32, #tpu.memory_space<hbm>> -> memref<100000xf32, #tpu.memory_space<hbm>>
      tpu.enqueue_indirect_dma source(%dma_start3A_30 : memref<100000xf32, #tpu.memory_space<hbm>>) target(%dma_start3A_26 : memref<128xf32, #tpu.memory_space<vmem>>) offsets(%dma_start3A_28 : memref<128xi32, #tpu.memory_space<vmem>>) semaphore(%arg12 : memref<!tpu.dma_semaphore, #tpu.memory_space<semaphore_mem>>)
      %dma_start3A_31 = arith.constant 128 : i32
      %dma_start3A_32 = tpu.memref_slice %arg10[%dma_start3A_31] : memref<3280xf32, #tpu.memory_space<vmem>> -> memref<128xf32, #tpu.memory_space<vmem>>
      %dma_start3A_33 = arith.constant 128 : i32
      %dma_start3A_34 = tpu.memref_slice %arg9[%dma_start3A_33] : memref<3280xi32, #tpu.memory_space<vmem>> -> memref<128xi32, #tpu.memory_space<vmem>>
      %dma_start3A_35 = arith.constant 0 : i32
      %dma_start3A_36 = tpu.memref_slice %arg3[%dma_start3A_35] : memref<100000xf32, #tpu.memory_space<hbm>> -> memref<100000xf32, #tpu.memory_space<hbm>>
      tpu.enqueue_indirect_dma source(%dma_start3A_36 : memref<100000xf32, #tpu.memory_space<hbm>>) target(%dma_start3A_32 : memref<128xf32, #tpu.memory_space<vmem>>) offsets(%dma_start3A_34 : memref<128xi32, #tpu.memory_space<vmem>>) semaphore(%arg12 : memref<!tpu.dma_semaphore, #tpu.memory_space<semaphore_mem>>)
      %dma_start3A_37 = arith.constant 256 : i32
      %dma_start3A_38 = tpu.memref_slice %arg10[%dma_start3A_37] : memref<3280xf32, #tpu.memory_space<vmem>> -> memref<128xf32, #tpu.memory_space<vmem>>
      %dma_start3A_39 = arith.constant 256 : i32
      %dma_start3A_40 = tpu.memref_slice %arg9[%dma_start3A_39] : memref<3280xi32, #tpu.memory_space<vmem>> -> memref<128xi32, #tpu.memory_space<vmem>>
      %dma_start3A_41 = arith.constant 0 : i32
      %dma_start3A_42 = tpu.memref_slice %arg3[%dma_start3A_41] : memref<100000xf32, #tpu.memory_space<hbm>> -> memref<100000xf32, #tpu.memory_space<hbm>>
      tpu.enqueue_indirect_dma source(%dma_start3A_42 : memref<100000xf32, #tpu.memory_space<hbm>>) target(%dma_start3A_38 : memref<128xf32, #tpu.memory_space<vmem>>) offsets(%dma_start3A_40 : memref<128xi32, #tpu.memory_space<vmem>>) semaphore(%arg12 : memref<!tpu.dma_semaphore, #tpu.memory_space<semaphore_mem>>)
      %dma_start3A_43 = arith.constant 384 : i32
      %dma_start3A_44 = tpu.memref_slice %arg10[%dma_start3A_43] : memref<3280xf32, #tpu.memory_space<vmem>> -> memref<128xf32, #tpu.memory_space<vmem>>
      %dma_start3A_45 = arith.constant 384 : i32
      %dma_start3A_46 = tpu.memref_slice %arg9[%dma_start3A_45] : memref<3280xi32, #tpu.memory_space<vmem>> -> memref<128xi32, #tpu.memory_space<vmem>>
      %dma_start3A_47 = arith.constant 0 : i32
      %dma_start3A_48 = tpu.memref_slice %arg3[%dma_start3A_47] : memref<100000xf32, #tpu.memory_space<hbm>> -> memref<100000xf32, #tpu.memory_space<hbm>>
      tpu.enqueue_indirect_dma source(%dma_start3A_48 : memref<100000xf32, #tpu.memory_space<hbm>>) target(%dma_start3A_44 : memref<128xf32, #tpu.memory_space<vmem>>) offsets(%dma_start3A_46 : memref<128xi32, #tpu.memory_space<vmem>>) semaphore(%arg12 : memref<!tpu.dma_semaphore, #tpu.memory_space<semaphore_mem>>)
      %dma_start3A_49 = arith.constant 512 : i32
      %dma_start3A_50 = tpu.memref_slice %arg10[%dma_start3A_49] : memref<3280xf32, #tpu.memory_space<vmem>> -> memref<128xf32, #tpu.memory_space<vmem>>
      %dma_start3A_51 = arith.constant 512 : i32
      %dma_start3A_52 = tpu.memref_slice %arg9[%dma_start3A_51] : memref<3280xi32, #tpu.memory_space<vmem>> -> memref<128xi32, #tpu.memory_space<vmem>>
      %dma_start3A_53 = arith.constant 0 : i32
      %dma_start3A_54 = tpu.memref_slice %arg3[%dma_start3A_53] : memref<100000xf32, #tpu.memory_space<hbm>> -> memref<100000xf32, #tpu.memory_space<hbm>>
      tpu.enqueue_indirect_dma source(%dma_start3A_54 : memref<100000xf32, #tpu.memory_space<hbm>>) target(%dma_start3A_50 : memref<128xf32, #tpu.memory_space<vmem>>) offsets(%dma_start3A_52 : memref<128xi32, #tpu.memory_space<vmem>>) semaphore(%arg12 : memref<!tpu.dma_semaphore, #tpu.memory_space<semaphore_mem>>)
      %dma_start3A_55 = arith.constant 640 : i32
      %dma_start3A_56 = tpu.memref_slice %arg10[%dma_start3A_55] : memref<3280xf32, #tpu.memory_space<vmem>> -> memref<128xf32, #tpu.memory_space<vmem>>
      %dma_start3A_57 = arith.constant 640 : i32
      %dma_start3A_58 = tpu.memref_slice %arg9[%dma_start3A_57] : memref<3280xi32, #tpu.memory_space<vmem>> -> memref<128xi32, #tpu.memory_space<vmem>>
      %dma_start3A_59 = arith.constant 0 : i32
      %dma_start3A_60 = tpu.memref_slice %arg3[%dma_start3A_59] : memref<100000xf32, #tpu.memory_space<hbm>> -> memref<100000xf32, #tpu.memory_space<hbm>>
      tpu.enqueue_indirect_dma source(%dma_start3A_60 : memref<100000xf32, #tpu.memory_space<hbm>>) target(%dma_start3A_56 : memref<128xf32, #tpu.memory_space<vmem>>) offsets(%dma_start3A_58 : memref<128xi32, #tpu.memory_space<vmem>>) semaphore(%arg12 : memref<!tpu.dma_semaphore, #tpu.memory_space<semaphore_mem>>)
      %dma_start3A_61 = arith.constant 768 : i32
      %dma_start3A_62 = tpu.memref_slice %arg10[%dma_start3A_61] : memref<3280xf32, #tpu.memory_space<vmem>> -> memref<128xf32, #tpu.memory_space<vmem>>
      %dma_start3A_63 = arith.constant 768 : i32
      %dma_start3A_64 = tpu.memref_slice %arg9[%dma_start3A_63] : memref<3280xi32, #tpu.memory_space<vmem>> -> memref<128xi32, #tpu.memory_space<vmem>>
      %dma_start3A_65 = arith.constant 0 : i32
      %dma_start3A_66 = tpu.memref_slice %arg3[%dma_start3A_65] : memref<100000xf32, #tpu.memory_space<hbm>> -> memref<100000xf32, #tpu.memory_space<hbm>>
      tpu.enqueue_indirect_dma source(%dma_start3A_66 : memref<100000xf32, #tpu.memory_space<hbm>>) target(%dma_start3A_62 : memref<128xf32, #tpu.memory_space<vmem>>) offsets(%dma_start3A_64 : memref<128xi32, #tpu.memory_space<vmem>>) semaphore(%arg12 : memref<!tpu.dma_semaphore, #tpu.memory_space<semaphore_mem>>)
      %dma_start3A_67 = arith.constant 896 : i32
      %dma_start3A_68 = tpu.memref_slice %arg10[%dma_start3A_67] : memref<3280xf32, #tpu.memory_space<vmem>> -> memref<128xf32, #tpu.memory_space<vmem>>
      %dma_start3A_69 = arith.constant 896 : i32
      %dma_start3A_70 = tpu.memref_slice %arg9[%dma_start3A_69] : memref<3280xi32, #tpu.memory_space<vmem>> -> memref<128xi32, #tpu.memory_space<vmem>>
      %dma_start3A_71 = arith.constant 0 : i32
      %dma_start3A_72 = tpu.memref_slice %arg3[%dma_start3A_71] : memref<100000xf32, #tpu.memory_space<hbm>> -> memref<100000xf32, #tpu.memory_space<hbm>>
      tpu.enqueue_indirect_dma source(%dma_start3A_72 : memref<100000xf32, #tpu.memory_space<hbm>>) target(%dma_start3A_68 : memref<128xf32, #tpu.memory_space<vmem>>) offsets(%dma_start3A_70 : memref<128xi32, #tpu.memory_space<vmem>>) semaphore(%arg12 : memref<!tpu.dma_semaphore, #tpu.memory_space<semaphore_mem>>)
      %dma_start3A_73 = arith.constant 1024 : i32
      %dma_start3A_74 = tpu.memref_slice %arg10[%dma_start3A_73] : memref<3280xf32, #tpu.memory_space<vmem>> -> memref<128xf32, #tpu.memory_space<vmem>>
      %dma_start3A_75 = arith.constant 1024 : i32
      %dma_start3A_76 = tpu.memref_slice %arg9[%dma_start3A_75] : memref<3280xi32, #tpu.memory_space<vmem>> -> memref<128xi32, #tpu.memory_space<vmem>>
      %dma_start3A_77 = arith.constant 0 : i32
      %dma_start3A_78 = tpu.memref_slice %arg3[%dma_start3A_77] : memref<100000xf32, #tpu.memory_space<hbm>> -> memref<100000xf32, #tpu.memory_space<hbm>>
      tpu.enqueue_indirect_dma source(%dma_start3A_78 : memref<100000xf32, #tpu.memory_space<hbm>>) target(%dma_start3A_74 : memref<128xf32, #tpu.memory_space<vmem>>) offsets(%dma_start3A_76 : memref<128xi32, #tpu.memory_space<vmem>>) semaphore(%arg12 : memref<!tpu.dma_semaphore, #tpu.memory_space<semaphore_mem>>)
      %dma_start3A_79 = arith.constant 1152 : i32
      %dma_start3A_80 = tpu.memref_slice %arg10[%dma_start3A_79] : memref<3280xf32, #tpu.memory_space<vmem>> -> memref<128xf32, #tpu.memory_space<vmem>>
      %dma_start3A_81 = arith.constant 1152 : i32
      %dma_start3A_82 = tpu.memref_slice %arg9[%dma_start3A_81] : memref<3280xi32, #tpu.memory_space<vmem>> -> memref<128xi32, #tpu.memory_space<vmem>>
      %dma_start3A_83 = arith.constant 0 : i32
      %dma_start3A_84 = tpu.memref_slice %arg3[%dma_start3A_83] : memref<100000xf32, #tpu.memory_space<hbm>> -> memref<100000xf32, #tpu.memory_space<hbm>>
      tpu.enqueue_indirect_dma source(%dma_start3A_84 : memref<100000xf32, #tpu.memory_space<hbm>>) target(%dma_start3A_80 : memref<128xf32, #tpu.memory_space<vmem>>) offsets(%dma_start3A_82 : memref<128xi32, #tpu.memory_space<vmem>>) semaphore(%arg12 : memref<!tpu.dma_semaphore, #tpu.memory_space<semaphore_mem>>)
      %dma_start3A_85 = arith.constant 1280 : i32
      %dma_start3A_86 = tpu.memref_slice %arg10[%dma_start3A_85] : memref<3280xf32, #tpu.memory_space<vmem>> -> memref<128xf32, #tpu.memory_space<vmem>>
      %dma_start3A_87 = arith.constant 1280 : i32
      %dma_start3A_88 = tpu.memref_slice %arg9[%dma_start3A_87] : memref<3280xi32, #tpu.memory_space<vmem>> -> memref<128xi32, #tpu.memory_space<vmem>>
      %dma_start3A_89 = arith.constant 0 : i32
      %dma_start3A_90 = tpu.memref_slice %arg3[%dma_start3A_89] : memref<100000xf32, #tpu.memory_space<hbm>> -> memref<100000xf32, #tpu.memory_space<hbm>>
      tpu.enqueue_indirect_dma source(%dma_start3A_90 : memref<100000xf32, #tpu.memory_space<hbm>>) target(%dma_start3A_86 : memref<128xf32, #tpu.memory_space<vmem>>) offsets(%dma_start3A_88 : memref<128xi32, #tpu.memory_space<vmem>>) semaphore(%arg12 : memref<!tpu.dma_semaphore, #tpu.memory_space<semaphore_mem>>)
      %dma_start3A_91 = arith.constant 1408 : i32
      %dma_start3A_92 = tpu.memref_slice %arg10[%dma_start3A_91] : memref<3280xf32, #tpu.memory_space<vmem>> -> memref<128xf32, #tpu.memory_space<vmem>>
      %dma_start3A_93 = arith.constant 1408 : i32
      %dma_start3A_94 = tpu.memref_slice %arg9[%dma_start3A_93] : memref<3280xi32, #tpu.memory_space<vmem>> -> memref<128xi32, #tpu.memory_space<vmem>>
      %dma_start3A_95 = arith.constant 0 : i32
      %dma_start3A_96 = tpu.memref_slice %arg3[%dma_start3A_95] : memref<100000xf32, #tpu.memory_space<hbm>> -> memref<100000xf32, #tpu.memory_space<hbm>>
      tpu.enqueue_indirect_dma source(%dma_start3A_96 : memref<100000xf32, #tpu.memory_space<hbm>>) target(%dma_start3A_92 : memref<128xf32, #tpu.memory_space<vmem>>) offsets(%dma_start3A_94 : memref<128xi32, #tpu.memory_space<vmem>>) semaphore(%arg12 : memref<!tpu.dma_semaphore, #tpu.memory_space<semaphore_mem>>)
      %dma_start3A_97 = arith.constant 1536 : i32
      %dma_start3A_98 = tpu.memref_slice %arg10[%dma_start3A_97] : memref<3280xf32, #tpu.memory_space<vmem>> -> memref<128xf32, #tpu.memory_space<vmem>>
      %dma_start3A_99 = arith.constant 1536 : i32
      %dma_start3A_100 = tpu.memref_slice %arg9[%dma_start3A_99] : memref<3280xi32, #tpu.memory_space<vmem>> -> memref<128xi32, #tpu.memory_space<vmem>>
      %dma_start3A_101 = arith.constant 0 : i32
      %dma_start3A_102 = tpu.memref_slice %arg3[%dma_start3A_101] : memref<100000xf32, #tpu.memory_space<hbm>> -> memref<100000xf32, #tpu.memory_space<hbm>>
      tpu.enqueue_indirect_dma source(%dma_start3A_102 : memref<100000xf32, #tpu.memory_space<hbm>>) target(%dma_start3A_98 : memref<128xf32, #tpu.memory_space<vmem>>) offsets(%dma_start3A_100 : memref<128xi32, #tpu.memory_space<vmem>>) semaphore(%arg12 : memref<!tpu.dma_semaphore, #tpu.memory_space<semaphore_mem>>)
      %dma_start3A_103 = arith.constant 1664 : i32
      %dma_start3A_104 = tpu.memref_slice %arg10[%dma_start3A_103] : memref<3280xf32, #tpu.memory_space<vmem>> -> memref<128xf32, #tpu.memory_space<vmem>>
      %dma_start3A_105 = arith.constant 1664 : i32
      %dma_start3A_106 = tpu.memref_slice %arg9[%dma_start3A_105] : memref<3280xi32, #tpu.memory_space<vmem>> -> memref<128xi32, #tpu.memory_space<vmem>>
      %dma_start3A_107 = arith.constant 0 : i32
      %dma_start3A_108 = tpu.memref_slice %arg3[%dma_start3A_107] : memref<100000xf32, #tpu.memory_space<hbm>> -> memref<100000xf32, #tpu.memory_space<hbm>>
      tpu.enqueue_indirect_dma source(%dma_start3A_108 : memref<100000xf32, #tpu.memory_space<hbm>>) target(%dma_start3A_104 : memref<128xf32, #tpu.memory_space<vmem>>) offsets(%dma_start3A_106 : memref<128xi32, #tpu.memory_space<vmem>>) semaphore(%arg12 : memref<!tpu.dma_semaphore, #tpu.memory_space<semaphore_mem>>)
      %dma_start3A_109 = arith.constant 1792 : i32
      %dma_start3A_110 = tpu.memref_slice %arg10[%dma_start3A_109] : memref<3280xf32, #tpu.memory_space<vmem>> -> memref<128xf32, #tpu.memory_space<vmem>>
      %dma_start3A_111 = arith.constant 1792 : i32
      %dma_start3A_112 = tpu.memref_slice %arg9[%dma_start3A_111] : memref<3280xi32, #tpu.memory_space<vmem>> -> memref<128xi32, #tpu.memory_space<vmem>>
      %dma_start3A_113 = arith.constant 0 : i32
      %dma_start3A_114 = tpu.memref_slice %arg3[%dma_start3A_113] : memref<100000xf32, #tpu.memory_space<hbm>> -> memref<100000xf32, #tpu.memory_space<hbm>>
      tpu.enqueue_indirect_dma source(%dma_start3A_114 : memref<100000xf32, #tpu.memory_space<hbm>>) target(%dma_start3A_110 : memref<128xf32, #tpu.memory_space<vmem>>) offsets(%dma_start3A_112 : memref<128xi32, #tpu.memory_space<vmem>>) semaphore(%arg12 : memref<!tpu.dma_semaphore, #tpu.memory_space<semaphore_mem>>)
      %dma_start3A_115 = arith.constant 1920 : i32
      %dma_start3A_116 = tpu.memref_slice %arg10[%dma_start3A_115] : memref<3280xf32, #tpu.memory_space<vmem>> -> memref<128xf32, #tpu.memory_space<vmem>>
      %dma_start3A_117 = arith.constant 1920 : i32
      %dma_start3A_118 = tpu.memref_slice %arg9[%dma_start3A_117] : memref<3280xi32, #tpu.memory_space<vmem>> -> memref<128xi32, #tpu.memory_space<vmem>>
      %dma_start3A_119 = arith.constant 0 : i32
      %dma_start3A_120 = tpu.memref_slice %arg3[%dma_start3A_119] : memref<100000xf32, #tpu.memory_space<hbm>> -> memref<100000xf32, #tpu.memory_space<hbm>>
      tpu.enqueue_indirect_dma source(%dma_start3A_120 : memref<100000xf32, #tpu.memory_space<hbm>>) target(%dma_start3A_116 : memref<128xf32, #tpu.memory_space<vmem>>) offsets(%dma_start3A_118 : memref<128xi32, #tpu.memory_space<vmem>>) semaphore(%arg12 : memref<!tpu.dma_semaphore, #tpu.memory_space<semaphore_mem>>)
      %dma_start3A_121 = arith.constant 2048 : i32
      %dma_start3A_122 = tpu.memref_slice %arg10[%dma_start3A_121] : memref<3280xf32, #tpu.memory_space<vmem>> -> memref<128xf32, #tpu.memory_space<vmem>>
      %dma_start3A_123 = arith.constant 2048 : i32
      %dma_start3A_124 = tpu.memref_slice %arg9[%dma_start3A_123] : memref<3280xi32, #tpu.memory_space<vmem>> -> memref<128xi32, #tpu.memory_space<vmem>>
      %dma_start3A_125 = arith.constant 0 : i32
      %dma_start3A_126 = tpu.memref_slice %arg3[%dma_start3A_125] : memref<100000xf32, #tpu.memory_space<hbm>> -> memref<100000xf32, #tpu.memory_space<hbm>>
      tpu.enqueue_indirect_dma source(%dma_start3A_126 : memref<100000xf32, #tpu.memory_space<hbm>>) target(%dma_start3A_122 : memref<128xf32, #tpu.memory_space<vmem>>) offsets(%dma_start3A_124 : memref<128xi32, #tpu.memory_space<vmem>>) semaphore(%arg12 : memref<!tpu.dma_semaphore, #tpu.memory_space<semaphore_mem>>)
      %dma_start3A_127 = arith.constant 2176 : i32
      %dma_start3A_128 = tpu.memref_slice %arg10[%dma_start3A_127] : memref<3280xf32, #tpu.memory_space<vmem>> -> memref<128xf32, #tpu.memory_space<vmem>>
      %dma_start3A_129 = arith.constant 2176 : i32
      %dma_start3A_130 = tpu.memref_slice %arg9[%dma_start3A_129] : memref<3280xi32, #tpu.memory_space<vmem>> -> memref<128xi32, #tpu.memory_space<vmem>>
      %dma_start3A_131 = arith.constant 0 : i32
      %dma_start3A_132 = tpu.memref_slice %arg3[%dma_start3A_131] : memref<100000xf32, #tpu.memory_space<hbm>> -> memref<100000xf32, #tpu.memory_space<hbm>>
      tpu.enqueue_indirect_dma source(%dma_start3A_132 : memref<100000xf32, #tpu.memory_space<hbm>>) target(%dma_start3A_128 : memref<128xf32, #tpu.memory_space<vmem>>) offsets(%dma_start3A_130 : memref<128xi32, #tpu.memory_space<vmem>>) semaphore(%arg12 : memref<!tpu.dma_semaphore, #tpu.memory_space<semaphore_mem>>)
      %dma_start3A_133 = arith.constant 2304 : i32
      %dma_start3A_134 = tpu.memref_slice %arg10[%dma_start3A_133] : memref<3280xf32, #tpu.memory_space<vmem>> -> memref<128xf32, #tpu.memory_space<vmem>>
      %dma_start3A_135 = arith.constant 2304 : i32
      %dma_start3A_136 = tpu.memref_slice %arg9[%dma_start3A_135] : memref<3280xi32, #tpu.memory_space<vmem>> -> memref<128xi32, #tpu.memory_space<vmem>>
      %dma_start3A_137 = arith.constant 0 : i32
      %dma_start3A_138 = tpu.memref_slice %arg3[%dma_start3A_137] : memref<100000xf32, #tpu.memory_space<hbm>> -> memref<100000xf32, #tpu.memory_space<hbm>>
      tpu.enqueue_indirect_dma source(%dma_start3A_138 : memref<100000xf32, #tpu.memory_space<hbm>>) target(%dma_start3A_134 : memref<128xf32, #tpu.memory_space<vmem>>) offsets(%dma_start3A_136 : memref<128xi32, #tpu.memory_space<vmem>>) semaphore(%arg12 : memref<!tpu.dma_semaphore, #tpu.memory_space<semaphore_mem>>)
      %dma_start3A_139 = arith.constant 2432 : i32
      %dma_start3A_140 = tpu.memref_slice %arg10[%dma_start3A_139] : memref<3280xf32, #tpu.memory_space<vmem>> -> memref<128xf32, #tpu.memory_space<vmem>>
      %dma_start3A_141 = arith.constant 2432 : i32
      %dma_start3A_142 = tpu.memref_slice %arg9[%dma_start3A_141] : memref<3280xi32, #tpu.memory_space<vmem>> -> memref<128xi32, #tpu.memory_space<vmem>>
      %dma_start3A_143 = arith.constant 0 : i32
      %dma_start3A_144 = tpu.memref_slice %arg3[%dma_start3A_143] : memref<100000xf32, #tpu.memory_space<hbm>> -> memref<100000xf32, #tpu.memory_space<hbm>>
      tpu.enqueue_indirect_dma source(%dma_start3A_144 : memref<100000xf32, #tpu.memory_space<hbm>>) target(%dma_start3A_140 : memref<128xf32, #tpu.memory_space<vmem>>) offsets(%dma_start3A_142 : memref<128xi32, #tpu.memory_space<vmem>>) semaphore(%arg12 : memref<!tpu.dma_semaphore, #tpu.memory_space<semaphore_mem>>)
      %dma_start3A_145 = arith.constant 2560 : i32
      %dma_start3A_146 = tpu.memref_slice %arg10[%dma_start3A_145] : memref<3280xf32, #tpu.memory_space<vmem>> -> memref<128xf32, #tpu.memory_space<vmem>>
      %dma_start3A_147 = arith.constant 2560 : i32
      %dma_start3A_148 = tpu.memref_slice %arg9[%dma_start3A_147] : memref<3280xi32, #tpu.memory_space<vmem>> -> memref<128xi32, #tpu.memory_space<vmem>>
      %dma_start3A_149 = arith.constant 0 : i32
      %dma_start3A_150 = tpu.memref_slice %arg3[%dma_start3A_149] : memref<100000xf32, #tpu.memory_space<hbm>> -> memref<100000xf32, #tpu.memory_space<hbm>>
      tpu.enqueue_indirect_dma source(%dma_start3A_150 : memref<100000xf32, #tpu.memory_space<hbm>>) target(%dma_start3A_146 : memref<128xf32, #tpu.memory_space<vmem>>) offsets(%dma_start3A_148 : memref<128xi32, #tpu.memory_space<vmem>>) semaphore(%arg12 : memref<!tpu.dma_semaphore, #tpu.memory_space<semaphore_mem>>)
      %dma_start3A_151 = arith.constant 2688 : i32
      %dma_start3A_152 = tpu.memref_slice %arg10[%dma_start3A_151] : memref<3280xf32, #tpu.memory_space<vmem>> -> memref<128xf32, #tpu.memory_space<vmem>>
      %dma_start3A_153 = arith.constant 2688 : i32
      %dma_start3A_154 = tpu.memref_slice %arg9[%dma_start3A_153] : memref<3280xi32, #tpu.memory_space<vmem>> -> memref<128xi32, #tpu.memory_space<vmem>>
      %dma_start3A_155 = arith.constant 0 : i32
      %dma_start3A_156 = tpu.memref_slice %arg3[%dma_start3A_155] : memref<100000xf32, #tpu.memory_space<hbm>> -> memref<100000xf32, #tpu.memory_space<hbm>>
      tpu.enqueue_indirect_dma source(%dma_start3A_156 : memref<100000xf32, #tpu.memory_space<hbm>>) target(%dma_start3A_152 : memref<128xf32, #tpu.memory_space<vmem>>) offsets(%dma_start3A_154 : memref<128xi32, #tpu.memory_space<vmem>>) semaphore(%arg12 : memref<!tpu.dma_semaphore, #tpu.memory_space<semaphore_mem>>)
      %dma_start3A_157 = arith.constant 2816 : i32
      %dma_start3A_158 = tpu.memref_slice %arg10[%dma_start3A_157] : memref<3280xf32, #tpu.memory_space<vmem>> -> memref<128xf32, #tpu.memory_space<vmem>>
      %dma_start3A_159 = arith.constant 2816 : i32
      %dma_start3A_160 = tpu.memref_slice %arg9[%dma_start3A_159] : memref<3280xi32, #tpu.memory_space<vmem>> -> memref<128xi32, #tpu.memory_space<vmem>>
      %dma_start3A_161 = arith.constant 0 : i32
      %dma_start3A_162 = tpu.memref_slice %arg3[%dma_start3A_161] : memref<100000xf32, #tpu.memory_space<hbm>> -> memref<100000xf32, #tpu.memory_space<hbm>>
      tpu.enqueue_indirect_dma source(%dma_start3A_162 : memref<100000xf32, #tpu.memory_space<hbm>>) target(%dma_start3A_158 : memref<128xf32, #tpu.memory_space<vmem>>) offsets(%dma_start3A_160 : memref<128xi32, #tpu.memory_space<vmem>>) semaphore(%arg12 : memref<!tpu.dma_semaphore, #tpu.memory_space<semaphore_mem>>)
      %dma_start3A_163 = arith.constant 2944 : i32
      %dma_start3A_164 = tpu.memref_slice %arg10[%dma_start3A_163] : memref<3280xf32, #tpu.memory_space<vmem>> -> memref<128xf32, #tpu.memory_space<vmem>>
      %dma_start3A_165 = arith.constant 2944 : i32
      %dma_start3A_166 = tpu.memref_slice %arg9[%dma_start3A_165] : memref<3280xi32, #tpu.memory_space<vmem>> -> memref<128xi32, #tpu.memory_space<vmem>>
      %dma_start3A_167 = arith.constant 0 : i32
      %dma_start3A_168 = tpu.memref_slice %arg3[%dma_start3A_167] : memref<100000xf32, #tpu.memory_space<hbm>> -> memref<100000xf32, #tpu.memory_space<hbm>>
      tpu.enqueue_indirect_dma source(%dma_start3A_168 : memref<100000xf32, #tpu.memory_space<hbm>>) target(%dma_start3A_164 : memref<128xf32, #tpu.memory_space<vmem>>) offsets(%dma_start3A_166 : memref<128xi32, #tpu.memory_space<vmem>>) semaphore(%arg12 : memref<!tpu.dma_semaphore, #tpu.memory_space<semaphore_mem>>)
      %dma_start3A_169 = arith.constant 3072 : i32
      %dma_start3A_170 = tpu.memref_slice %arg10[%dma_start3A_169] : memref<3280xf32, #tpu.memory_space<vmem>> -> memref<48xf32, #tpu.memory_space<vmem>>
      %dma_start3A_171 = arith.constant 3072 : i32
      %dma_start3A_172 = tpu.memref_slice %arg9[%dma_start3A_171] : memref<3280xi32, #tpu.memory_space<vmem>> -> memref<48xi32, #tpu.memory_space<vmem>>
      %dma_start3A_173 = arith.constant 0 : i32
      %dma_start3A_174 = tpu.memref_slice %arg3[%dma_start3A_173] : memref<100000xf32, #tpu.memory_space<hbm>> -> memref<100000xf32, #tpu.memory_space<hbm>>
      tpu.enqueue_indirect_dma source(%dma_start3A_174 : memref<100000xf32, #tpu.memory_space<hbm>>) target(%dma_start3A_170 : memref<48xf32, #tpu.memory_space<vmem>>) offsets(%dma_start3A_172 : memref<48xi32, #tpu.memory_space<vmem>>) semaphore(%arg12 : memref<!tpu.dma_semaphore, #tpu.memory_space<semaphore_mem>>)
      tpu.wait_dma2 semaphore(%arg13 : memref<!tpu.dma_semaphore, #tpu.memory_space<semaphore_mem>>) src(%arg2 : memref<1000xf32, #tpu.memory_space<hbm>>) dst(%arg7 : memref<1000xf32, #tpu.memory_space<vmem>>)
      %dma_wait3A_175 = arith.constant 0 : i32
      %dma_wait3A_176 = tpu.memref_slice %arg8[%dma_wait3A_175] : memref<3280xi32, #tpu.memory_space<vmem>> -> memref<3120xi32, #tpu.memory_space<vmem>>
      %dma_wait3A_177 = tpu.memref_slice %arg4[%mul3A_2] : memref<100000xi32, #tpu.memory_space<hbm>> -> memref<3120xi32, #tpu.memory_space<hbm>>
      %dma_wait3A_178 = arith.constant 0 : i32
      %dma_wait3A_179 = tpu.memref_slice %arg8[%dma_wait3A_178] : memref<3280xi32, #tpu.memory_space<vmem>> -> memref<3120xi32, #tpu.memory_space<vmem>>
      %dma_wait3A_180 = tpu.memref_slice %arg4[%mul3A_2] : memref<100000xi32, #tpu.memory_space<hbm>> -> memref<3120xi32, #tpu.memory_space<hbm>>
      tpu.wait_dma2 semaphore(%arg14 : memref<!tpu.dma_semaphore, #tpu.memory_space<semaphore_mem>>) src(%dma_wait3A_180 : memref<3120xi32, #tpu.memory_space<hbm>>) dst(%dma_wait3A_179 : memref<3120xi32, #tpu.memory_space<vmem>>)
      %dma_wait3A_181 = arith.constant 0 : i32
      %dma_wait3A_182 = tpu.memref_slice %arg10[%dma_wait3A_181] : memref<3280xf32, #tpu.memory_space<vmem>> -> memref<128xf32, #tpu.memory_space<vmem>>
      %dma_wait3A_183 = arith.constant 0 : i32
      %dma_wait3A_184 = tpu.memref_slice %arg9[%dma_wait3A_183] : memref<3280xi32, #tpu.memory_space<vmem>> -> memref<128xi32, #tpu.memory_space<vmem>>
      %dma_wait3A_185 = arith.constant 0 : i32
      %dma_wait3A_186 = tpu.memref_slice %arg3[%dma_wait3A_185] : memref<100000xf32, #tpu.memory_space<hbm>> -> memref<100000xf32, #tpu.memory_space<hbm>>
      tpu.wait_indirect_dma semaphore(%arg12 : memref<!tpu.dma_semaphore, #tpu.memory_space<semaphore_mem>>) src(%dma_wait3A_186 : memref<100000xf32, #tpu.memory_space<hbm>>) dst(%dma_wait3A_182 : memref<128xf32, #tpu.memory_space<vmem>>)
      %dma_wait3A_187 = arith.constant 128 : i32
      %dma_wait3A_188 = tpu.memref_slice %arg10[%dma_wait3A_187] : memref<3280xf32, #tpu.memory_space<vmem>> -> memref<128xf32, #tpu.memory_space<vmem>>
      %dma_wait3A_189 = arith.constant 128 : i32
      %dma_wait3A_190 = tpu.memref_slice %arg9[%dma_wait3A_189] : memref<3280xi32, #tpu.memory_space<vmem>> -> memref<128xi32, #tpu.memory_space<vmem>>
      %dma_wait3A_191 = arith.constant 0 : i32
      %dma_wait3A_192 = tpu.memref_slice %arg3[%dma_wait3A_191] : memref<100000xf32, #tpu.memory_space<hbm>> -> memref<100000xf32, #tpu.memory_space<hbm>>
      tpu.wait_indirect_dma semaphore(%arg12 : memref<!tpu.dma_semaphore, #tpu.memory_space<semaphore_mem>>) src(%dma_wait3A_192 : memref<100000xf32, #tpu.memory_space<hbm>>) dst(%dma_wait3A_188 : memref<128xf32, #tpu.memory_space<vmem>>)
      %dma_wait3A_193 = arith.constant 256 : i32
      %dma_wait3A_194 = tpu.memref_slice %arg10[%dma_wait3A_193] : memref<3280xf32, #tpu.memory_space<vmem>> -> memref<128xf32, #tpu.memory_space<vmem>>
      %dma_wait3A_195 = arith.constant 256 : i32
      %dma_wait3A_196 = tpu.memref_slice %arg9[%dma_wait3A_195] : memref<3280xi32, #tpu.memory_space<vmem>> -> memref<128xi32, #tpu.memory_space<vmem>>
      %dma_wait3A_197 = arith.constant 0 : i32
      %dma_wait3A_198 = tpu.memref_slice %arg3[%dma_wait3A_197] : memref<100000xf32, #tpu.memory_space<hbm>> -> memref<100000xf32, #tpu.memory_space<hbm>>
      tpu.wait_indirect_dma semaphore(%arg12 : memref<!tpu.dma_semaphore, #tpu.memory_space<semaphore_mem>>) src(%dma_wait3A_198 : memref<100000xf32, #tpu.memory_space<hbm>>) dst(%dma_wait3A_194 : memref<128xf32, #tpu.memory_space<vmem>>)
      %dma_wait3A_199 = arith.constant 384 : i32
      %dma_wait3A_200 = tpu.memref_slice %arg10[%dma_wait3A_199] : memref<3280xf32, #tpu.memory_space<vmem>> -> memref<128xf32, #tpu.memory_space<vmem>>
      %dma_wait3A_201 = arith.constant 384 : i32
      %dma_wait3A_202 = tpu.memref_slice %arg9[%dma_wait3A_201] : memref<3280xi32, #tpu.memory_space<vmem>> -> memref<128xi32, #tpu.memory_space<vmem>>
      %dma_wait3A_203 = arith.constant 0 : i32
      %dma_wait3A_204 = tpu.memref_slice %arg3[%dma_wait3A_203] : memref<100000xf32, #tpu.memory_space<hbm>> -> memref<100000xf32, #tpu.memory_space<hbm>>
      tpu.wait_indirect_dma semaphore(%arg12 : memref<!tpu.dma_semaphore, #tpu.memory_space<semaphore_mem>>) src(%dma_wait3A_204 : memref<100000xf32, #tpu.memory_space<hbm>>) dst(%dma_wait3A_200 : memref<128xf32, #tpu.memory_space<vmem>>)
      %dma_wait3A_205 = arith.constant 512 : i32
      %dma_wait3A_206 = tpu.memref_slice %arg10[%dma_wait3A_205] : memref<3280xf32, #tpu.memory_space<vmem>> -> memref<128xf32, #tpu.memory_space<vmem>>
      %dma_wait3A_207 = arith.constant 512 : i32
      %dma_wait3A_208 = tpu.memref_slice %arg9[%dma_wait3A_207] : memref<3280xi32, #tpu.memory_space<vmem>> -> memref<128xi32, #tpu.memory_space<vmem>>
      %dma_wait3A_209 = arith.constant 0 : i32
      %dma_wait3A_210 = tpu.memref_slice %arg3[%dma_wait3A_209] : memref<100000xf32, #tpu.memory_space<hbm>> -> memref<100000xf32, #tpu.memory_space<hbm>>
      tpu.wait_indirect_dma semaphore(%arg12 : memref<!tpu.dma_semaphore, #tpu.memory_space<semaphore_mem>>) src(%dma_wait3A_210 : memref<100000xf32, #tpu.memory_space<hbm>>) dst(%dma_wait3A_206 : memref<128xf32, #tpu.memory_space<vmem>>)
      %dma_wait3A_211 = arith.constant 640 : i32
      %dma_wait3A_212 = tpu.memref_slice %arg10[%dma_wait3A_211] : memref<3280xf32, #tpu.memory_space<vmem>> -> memref<128xf32, #tpu.memory_space<vmem>>
      %dma_wait3A_213 = arith.constant 640 : i32
      %dma_wait3A_214 = tpu.memref_slice %arg9[%dma_wait3A_213] : memref<3280xi32, #tpu.memory_space<vmem>> -> memref<128xi32, #tpu.memory_space<vmem>>
      %dma_wait3A_215 = arith.constant 0 : i32
      %dma_wait3A_216 = tpu.memref_slice %arg3[%dma_wait3A_215] : memref<100000xf32, #tpu.memory_space<hbm>> -> memref<100000xf32, #tpu.memory_space<hbm>>
      tpu.wait_indirect_dma semaphore(%arg12 : memref<!tpu.dma_semaphore, #tpu.memory_space<semaphore_mem>>) src(%dma_wait3A_216 : memref<100000xf32, #tpu.memory_space<hbm>>) dst(%dma_wait3A_212 : memref<128xf32, #tpu.memory_space<vmem>>)
      %dma_wait3A_217 = arith.constant 768 : i32
      %dma_wait3A_218 = tpu.memref_slice %arg10[%dma_wait3A_217] : memref<3280xf32, #tpu.memory_space<vmem>> -> memref<128xf32, #tpu.memory_space<vmem>>
      %dma_wait3A_219 = arith.constant 768 : i32
      %dma_wait3A_220 = tpu.memref_slice %arg9[%dma_wait3A_219] : memref<3280xi32, #tpu.memory_space<vmem>> -> memref<128xi32, #tpu.memory_space<vmem>>
      %dma_wait3A_221 = arith.constant 0 : i32
      %dma_wait3A_222 = tpu.memref_slice %arg3[%dma_wait3A_221] : memref<100000xf32, #tpu.memory_space<hbm>> -> memref<100000xf32, #tpu.memory_space<hbm>>
      tpu.wait_indirect_dma semaphore(%arg12 : memref<!tpu.dma_semaphore, #tpu.memory_space<semaphore_mem>>) src(%dma_wait3A_222 : memref<100000xf32, #tpu.memory_space<hbm>>) dst(%dma_wait3A_218 : memref<128xf32, #tpu.memory_space<vmem>>)
      %dma_wait3A_223 = arith.constant 896 : i32
      %dma_wait3A_224 = tpu.memref_slice %arg10[%dma_wait3A_223] : memref<3280xf32, #tpu.memory_space<vmem>> -> memref<128xf32, #tpu.memory_space<vmem>>
      %dma_wait3A_225 = arith.constant 896 : i32
      %dma_wait3A_226 = tpu.memref_slice %arg9[%dma_wait3A_225] : memref<3280xi32, #tpu.memory_space<vmem>> -> memref<128xi32, #tpu.memory_space<vmem>>
      %dma_wait3A_227 = arith.constant 0 : i32
      %dma_wait3A_228 = tpu.memref_slice %arg3[%dma_wait3A_227] : memref<100000xf32, #tpu.memory_space<hbm>> -> memref<100000xf32, #tpu.memory_space<hbm>>
      tpu.wait_indirect_dma semaphore(%arg12 : memref<!tpu.dma_semaphore, #tpu.memory_space<semaphore_mem>>) src(%dma_wait3A_228 : memref<100000xf32, #tpu.memory_space<hbm>>) dst(%dma_wait3A_224 : memref<128xf32, #tpu.memory_space<vmem>>)
      %dma_wait3A_229 = arith.constant 1024 : i32
      %dma_wait3A_230 = tpu.memref_slice %arg10[%dma_wait3A_229] : memref<3280xf32, #tpu.memory_space<vmem>> -> memref<128xf32, #tpu.memory_space<vmem>>
      %dma_wait3A_231 = arith.constant 1024 : i32
      %dma_wait3A_232 = tpu.memref_slice %arg9[%dma_wait3A_231] : memref<3280xi32, #tpu.memory_space<vmem>> -> memref<128xi32, #tpu.memory_space<vmem>>
      %dma_wait3A_233 = arith.constant 0 : i32
      %dma_wait3A_234 = tpu.memref_slice %arg3[%dma_wait3A_233] : memref<100000xf32, #tpu.memory_space<hbm>> -> memref<100000xf32, #tpu.memory_space<hbm>>
      tpu.wait_indirect_dma semaphore(%arg12 : memref<!tpu.dma_semaphore, #tpu.memory_space<semaphore_mem>>) src(%dma_wait3A_234 : memref<100000xf32, #tpu.memory_space<hbm>>) dst(%dma_wait3A_230 : memref<128xf32, #tpu.memory_space<vmem>>)
      %dma_wait3A_235 = arith.constant 1152 : i32
      %dma_wait3A_236 = tpu.memref_slice %arg10[%dma_wait3A_235] : memref<3280xf32, #tpu.memory_space<vmem>> -> memref<128xf32, #tpu.memory_space<vmem>>
      %dma_wait3A_237 = arith.constant 1152 : i32
      %dma_wait3A_238 = tpu.memref_slice %arg9[%dma_wait3A_237] : memref<3280xi32, #tpu.memory_space<vmem>> -> memref<128xi32, #tpu.memory_space<vmem>>
      %dma_wait3A_239 = arith.constant 0 : i32
      %dma_wait3A_240 = tpu.memref_slice %arg3[%dma_wait3A_239] : memref<100000xf32, #tpu.memory_space<hbm>> -> memref<100000xf32, #tpu.memory_space<hbm>>
      tpu.wait_indirect_dma semaphore(%arg12 : memref<!tpu.dma_semaphore, #tpu.memory_space<semaphore_mem>>) src(%dma_wait3A_240 : memref<100000xf32, #tpu.memory_space<hbm>>) dst(%dma_wait3A_236 : memref<128xf32, #tpu.memory_space<vmem>>)
      %dma_wait3A_241 = arith.constant 1280 : i32
      %dma_wait3A_242 = tpu.memref_slice %arg10[%dma_wait3A_241] : memref<3280xf32, #tpu.memory_space<vmem>> -> memref<128xf32, #tpu.memory_space<vmem>>
      %dma_wait3A_243 = arith.constant 1280 : i32
      %dma_wait3A_244 = tpu.memref_slice %arg9[%dma_wait3A_243] : memref<3280xi32, #tpu.memory_space<vmem>> -> memref<128xi32, #tpu.memory_space<vmem>>
      %dma_wait3A_245 = arith.constant 0 : i32
      %dma_wait3A_246 = tpu.memref_slice %arg3[%dma_wait3A_245] : memref<100000xf32, #tpu.memory_space<hbm>> -> memref<100000xf32, #tpu.memory_space<hbm>>
      tpu.wait_indirect_dma semaphore(%arg12 : memref<!tpu.dma_semaphore, #tpu.memory_space<semaphore_mem>>) src(%dma_wait3A_246 : memref<100000xf32, #tpu.memory_space<hbm>>) dst(%dma_wait3A_242 : memref<128xf32, #tpu.memory_space<vmem>>)
      %dma_wait3A_247 = arith.constant 1408 : i32
      %dma_wait3A_248 = tpu.memref_slice %arg10[%dma_wait3A_247] : memref<3280xf32, #tpu.memory_space<vmem>> -> memref<128xf32, #tpu.memory_space<vmem>>
      %dma_wait3A_249 = arith.constant 1408 : i32
      %dma_wait3A_250 = tpu.memref_slice %arg9[%dma_wait3A_249] : memref<3280xi32, #tpu.memory_space<vmem>> -> memref<128xi32, #tpu.memory_space<vmem>>
      %dma_wait3A_251 = arith.constant 0 : i32
      %dma_wait3A_252 = tpu.memref_slice %arg3[%dma_wait3A_251] : memref<100000xf32, #tpu.memory_space<hbm>> -> memref<100000xf32, #tpu.memory_space<hbm>>
      tpu.wait_indirect_dma semaphore(%arg12 : memref<!tpu.dma_semaphore, #tpu.memory_space<semaphore_mem>>) src(%dma_wait3A_252 : memref<100000xf32, #tpu.memory_space<hbm>>) dst(%dma_wait3A_248 : memref<128xf32, #tpu.memory_space<vmem>>)
      %dma_wait3A_253 = arith.constant 1536 : i32
      %dma_wait3A_254 = tpu.memref_slice %arg10[%dma_wait3A_253] : memref<3280xf32, #tpu.memory_space<vmem>> -> memref<128xf32, #tpu.memory_space<vmem>>
      %dma_wait3A_255 = arith.constant 1536 : i32
      %dma_wait3A_256 = tpu.memref_slice %arg9[%dma_wait3A_255] : memref<3280xi32, #tpu.memory_space<vmem>> -> memref<128xi32, #tpu.memory_space<vmem>>
      %dma_wait3A_257 = arith.constant 0 : i32
      %dma_wait3A_258 = tpu.memref_slice %arg3[%dma_wait3A_257] : memref<100000xf32, #tpu.memory_space<hbm>> -> memref<100000xf32, #tpu.memory_space<hbm>>
      tpu.wait_indirect_dma semaphore(%arg12 : memref<!tpu.dma_semaphore, #tpu.memory_space<semaphore_mem>>) src(%dma_wait3A_258 : memref<100000xf32, #tpu.memory_space<hbm>>) dst(%dma_wait3A_254 : memref<128xf32, #tpu.memory_space<vmem>>)
      %dma_wait3A_259 = arith.constant 1664 : i32
      %dma_wait3A_260 = tpu.memref_slice %arg10[%dma_wait3A_259] : memref<3280xf32, #tpu.memory_space<vmem>> -> memref<128xf32, #tpu.memory_space<vmem>>
      %dma_wait3A_261 = arith.constant 1664 : i32
      %dma_wait3A_262 = tpu.memref_slice %arg9[%dma_wait3A_261] : memref<3280xi32, #tpu.memory_space<vmem>> -> memref<128xi32, #tpu.memory_space<vmem>>
      %dma_wait3A_263 = arith.constant 0 : i32
      %dma_wait3A_264 = tpu.memref_slice %arg3[%dma_wait3A_263] : memref<100000xf32, #tpu.memory_space<hbm>> -> memref<100000xf32, #tpu.memory_space<hbm>>
      tpu.wait_indirect_dma semaphore(%arg12 : memref<!tpu.dma_semaphore, #tpu.memory_space<semaphore_mem>>) src(%dma_wait3A_264 : memref<100000xf32, #tpu.memory_space<hbm>>) dst(%dma_wait3A_260 : memref<128xf32, #tpu.memory_space<vmem>>)
      %dma_wait3A_265 = arith.constant 1792 : i32
      %dma_wait3A_266 = tpu.memref_slice %arg10[%dma_wait3A_265] : memref<3280xf32, #tpu.memory_space<vmem>> -> memref<128xf32, #tpu.memory_space<vmem>>
      %dma_wait3A_267 = arith.constant 1792 : i32
      %dma_wait3A_268 = tpu.memref_slice %arg9[%dma_wait3A_267] : memref<3280xi32, #tpu.memory_space<vmem>> -> memref<128xi32, #tpu.memory_space<vmem>>
      %dma_wait3A_269 = arith.constant 0 : i32
      %dma_wait3A_270 = tpu.memref_slice %arg3[%dma_wait3A_269] : memref<100000xf32, #tpu.memory_space<hbm>> -> memref<100000xf32, #tpu.memory_space<hbm>>
      tpu.wait_indirect_dma semaphore(%arg12 : memref<!tpu.dma_semaphore, #tpu.memory_space<semaphore_mem>>) src(%dma_wait3A_270 : memref<100000xf32, #tpu.memory_space<hbm>>) dst(%dma_wait3A_266 : memref<128xf32, #tpu.memory_space<vmem>>)
      %dma_wait3A_271 = arith.constant 1920 : i32
      %dma_wait3A_272 = tpu.memref_slice %arg10[%dma_wait3A_271] : memref<3280xf32, #tpu.memory_space<vmem>> -> memref<128xf32, #tpu.memory_space<vmem>>
      %dma_wait3A_273 = arith.constant 1920 : i32
      %dma_wait3A_274 = tpu.memref_slice %arg9[%dma_wait3A_273] : memref<3280xi32, #tpu.memory_space<vmem>> -> memref<128xi32, #tpu.memory_space<vmem>>
      %dma_wait3A_275 = arith.constant 0 : i32
      %dma_wait3A_276 = tpu.memref_slice %arg3[%dma_wait3A_275] : memref<100000xf32, #tpu.memory_space<hbm>> -> memref<100000xf32, #tpu.memory_space<hbm>>
      tpu.wait_indirect_dma semaphore(%arg12 : memref<!tpu.dma_semaphore, #tpu.memory_space<semaphore_mem>>) src(%dma_wait3A_276 : memref<100000xf32, #tpu.memory_space<hbm>>) dst(%dma_wait3A_272 : memref<128xf32, #tpu.memory_space<vmem>>)
      %dma_wait3A_277 = arith.constant 2048 : i32
      %dma_wait3A_278 = tpu.memref_slice %arg10[%dma_wait3A_277] : memref<3280xf32, #tpu.memory_space<vmem>> -> memref<128xf32, #tpu.memory_space<vmem>>
      %dma_wait3A_279 = arith.constant 2048 : i32
      %dma_wait3A_280 = tpu.memref_slice %arg9[%dma_wait3A_279] : memref<3280xi32, #tpu.memory_space<vmem>> -> memref<128xi32, #tpu.memory_space<vmem>>
      %dma_wait3A_281 = arith.constant 0 : i32
      %dma_wait3A_282 = tpu.memref_slice %arg3[%dma_wait3A_281] : memref<100000xf32, #tpu.memory_space<hbm>> -> memref<100000xf32, #tpu.memory_space<hbm>>
      tpu.wait_indirect_dma semaphore(%arg12 : memref<!tpu.dma_semaphore, #tpu.memory_space<semaphore_mem>>) src(%dma_wait3A_282 : memref<100000xf32, #tpu.memory_space<hbm>>) dst(%dma_wait3A_278 : memref<128xf32, #tpu.memory_space<vmem>>)
      %dma_wait3A_283 = arith.constant 2176 : i32
      %dma_wait3A_284 = tpu.memref_slice %arg10[%dma_wait3A_283] : memref<3280xf32, #tpu.memory_space<vmem>> -> memref<128xf32, #tpu.memory_space<vmem>>
      %dma_wait3A_285 = arith.constant 2176 : i32
      %dma_wait3A_286 = tpu.memref_slice %arg9[%dma_wait3A_285] : memref<3280xi32, #tpu.memory_space<vmem>> -> memref<128xi32, #tpu.memory_space<vmem>>
      %dma_wait3A_287 = arith.constant 0 : i32
      %dma_wait3A_288 = tpu.memref_slice %arg3[%dma_wait3A_287] : memref<100000xf32, #tpu.memory_space<hbm>> -> memref<100000xf32, #tpu.memory_space<hbm>>
      tpu.wait_indirect_dma semaphore(%arg12 : memref<!tpu.dma_semaphore, #tpu.memory_space<semaphore_mem>>) src(%dma_wait3A_288 : memref<100000xf32, #tpu.memory_space<hbm>>) dst(%dma_wait3A_284 : memref<128xf32, #tpu.memory_space<vmem>>)
      %dma_wait3A_289 = arith.constant 2304 : i32
      %dma_wait3A_290 = tpu.memref_slice %arg10[%dma_wait3A_289] : memref<3280xf32, #tpu.memory_space<vmem>> -> memref<128xf32, #tpu.memory_space<vmem>>
      %dma_wait3A_291 = arith.constant 2304 : i32
      %dma_wait3A_292 = tpu.memref_slice %arg9[%dma_wait3A_291] : memref<3280xi32, #tpu.memory_space<vmem>> -> memref<128xi32, #tpu.memory_space<vmem>>
      %dma_wait3A_293 = arith.constant 0 : i32
      %dma_wait3A_294 = tpu.memref_slice %arg3[%dma_wait3A_293] : memref<100000xf32, #tpu.memory_space<hbm>> -> memref<100000xf32, #tpu.memory_space<hbm>>
      tpu.wait_indirect_dma semaphore(%arg12 : memref<!tpu.dma_semaphore, #tpu.memory_space<semaphore_mem>>) src(%dma_wait3A_294 : memref<100000xf32, #tpu.memory_space<hbm>>) dst(%dma_wait3A_290 : memref<128xf32, #tpu.memory_space<vmem>>)
      %dma_wait3A_295 = arith.constant 2432 : i32
      %dma_wait3A_296 = tpu.memref_slice %arg10[%dma_wait3A_295] : memref<3280xf32, #tpu.memory_space<vmem>> -> memref<128xf32, #tpu.memory_space<vmem>>
      %dma_wait3A_297 = arith.constant 2432 : i32
      %dma_wait3A_298 = tpu.memref_slice %arg9[%dma_wait3A_297] : memref<3280xi32, #tpu.memory_space<vmem>> -> memref<128xi32, #tpu.memory_space<vmem>>
      %dma_wait3A_299 = arith.constant 0 : i32
      %dma_wait3A_300 = tpu.memref_slice %arg3[%dma_wait3A_299] : memref<100000xf32, #tpu.memory_space<hbm>> -> memref<100000xf32, #tpu.memory_space<hbm>>
      tpu.wait_indirect_dma semaphore(%arg12 : memref<!tpu.dma_semaphore, #tpu.memory_space<semaphore_mem>>) src(%dma_wait3A_300 : memref<100000xf32, #tpu.memory_space<hbm>>) dst(%dma_wait3A_296 : memref<128xf32, #tpu.memory_space<vmem>>)
      %dma_wait3A_301 = arith.constant 2560 : i32
      %dma_wait3A_302 = tpu.memref_slice %arg10[%dma_wait3A_301] : memref<3280xf32, #tpu.memory_space<vmem>> -> memref<128xf32, #tpu.memory_space<vmem>>
      %dma_wait3A_303 = arith.constant 2560 : i32
      %dma_wait3A_304 = tpu.memref_slice %arg9[%dma_wait3A_303] : memref<3280xi32, #tpu.memory_space<vmem>> -> memref<128xi32, #tpu.memory_space<vmem>>
      %dma_wait3A_305 = arith.constant 0 : i32
      %dma_wait3A_306 = tpu.memref_slice %arg3[%dma_wait3A_305] : memref<100000xf32, #tpu.memory_space<hbm>> -> memref<100000xf32, #tpu.memory_space<hbm>>
      tpu.wait_indirect_dma semaphore(%arg12 : memref<!tpu.dma_semaphore, #tpu.memory_space<semaphore_mem>>) src(%dma_wait3A_306 : memref<100000xf32, #tpu.memory_space<hbm>>) dst(%dma_wait3A_302 : memref<128xf32, #tpu.memory_space<vmem>>)
      %dma_wait3A_307 = arith.constant 2688 : i32
      %dma_wait3A_308 = tpu.memref_slice %arg10[%dma_wait3A_307] : memref<3280xf32, #tpu.memory_space<vmem>> -> memref<128xf32, #tpu.memory_space<vmem>>
      %dma_wait3A_309 = arith.constant 2688 : i32
      %dma_wait3A_310 = tpu.memref_slice %arg9[%dma_wait3A_309] : memref<3280xi32, #tpu.memory_space<vmem>> -> memref<128xi32, #tpu.memory_space<vmem>>
      %dma_wait3A_311 = arith.constant 0 : i32
      %dma_wait3A_312 = tpu.memref_slice %arg3[%dma_wait3A_311] : memref<100000xf32, #tpu.memory_space<hbm>> -> memref<100000xf32, #tpu.memory_space<hbm>>
      tpu.wait_indirect_dma semaphore(%arg12 : memref<!tpu.dma_semaphore, #tpu.memory_space<semaphore_mem>>) src(%dma_wait3A_312 : memref<100000xf32, #tpu.memory_space<hbm>>) dst(%dma_wait3A_308 : memref<128xf32, #tpu.memory_space<vmem>>)
      %dma_wait3A_313 = arith.constant 2816 : i32
      %dma_wait3A_314 = tpu.memref_slice %arg10[%dma_wait3A_313] : memref<3280xf32, #tpu.memory_space<vmem>> -> memref<128xf32, #tpu.memory_space<vmem>>
      %dma_wait3A_315 = arith.constant 2816 : i32
      %dma_wait3A_316 = tpu.memref_slice %arg9[%dma_wait3A_315] : memref<3280xi32, #tpu.memory_space<vmem>> -> memref<128xi32, #tpu.memory_space<vmem>>
      %dma_wait3A_317 = arith.constant 0 : i32
      %dma_wait3A_318 = tpu.memref_slice %arg3[%dma_wait3A_317] : memref<100000xf32, #tpu.memory_space<hbm>> -> memref<100000xf32, #tpu.memory_space<hbm>>
      tpu.wait_indirect_dma semaphore(%arg12 : memref<!tpu.dma_semaphore, #tpu.memory_space<semaphore_mem>>) src(%dma_wait3A_318 : memref<100000xf32, #tpu.memory_space<hbm>>) dst(%dma_wait3A_314 : memref<128xf32, #tpu.memory_space<vmem>>)
      %dma_wait3A_319 = arith.constant 2944 : i32
      %dma_wait3A_320 = tpu.memref_slice %arg10[%dma_wait3A_319] : memref<3280xf32, #tpu.memory_space<vmem>> -> memref<128xf32, #tpu.memory_space<vmem>>
      %dma_wait3A_321 = arith.constant 2944 : i32
      %dma_wait3A_322 = tpu.memref_slice %arg9[%dma_wait3A_321] : memref<3280xi32, #tpu.memory_space<vmem>> -> memref<128xi32, #tpu.memory_space<vmem>>
      %dma_wait3A_323 = arith.constant 0 : i32
      %dma_wait3A_324 = tpu.memref_slice %arg3[%dma_wait3A_323] : memref<100000xf32, #tpu.memory_space<hbm>> -> memref<100000xf32, #tpu.memory_space<hbm>>
      tpu.wait_indirect_dma semaphore(%arg12 : memref<!tpu.dma_semaphore, #tpu.memory_space<semaphore_mem>>) src(%dma_wait3A_324 : memref<100000xf32, #tpu.memory_space<hbm>>) dst(%dma_wait3A_320 : memref<128xf32, #tpu.memory_space<vmem>>)
      %dma_wait3A_325 = arith.constant 3072 : i32
      %dma_wait3A_326 = tpu.memref_slice %arg10[%dma_wait3A_325] : memref<3280xf32, #tpu.memory_space<vmem>> -> memref<48xf32, #tpu.memory_space<vmem>>
      %dma_wait3A_327 = arith.constant 3072 : i32
      %dma_wait3A_328 = tpu.memref_slice %arg9[%dma_wait3A_327] : memref<3280xi32, #tpu.memory_space<vmem>> -> memref<48xi32, #tpu.memory_space<vmem>>
      %dma_wait3A_329 = arith.constant 0 : i32
      %dma_wait3A_330 = tpu.memref_slice %arg3[%dma_wait3A_329] : memref<100000xf32, #tpu.memory_space<hbm>> -> memref<100000xf32, #tpu.memory_space<hbm>>
      tpu.wait_indirect_dma semaphore(%arg12 : memref<!tpu.dma_semaphore, #tpu.memory_space<semaphore_mem>>) src(%dma_wait3A_330 : memref<100000xf32, #tpu.memory_space<hbm>>) dst(%dma_wait3A_326 : memref<48xf32, #tpu.memory_space<vmem>>)
      %scan3A = arith.constant 0 : i32
      %scan3A_331 = arith.constant 195 : i32
      %scan3A_332 = arith.addi %scan3A, %scan3A_331 : i32
      %scan3A_333 = arith.constant 1 : i32
      scf.for %scan3A_335 = %scan3A to %scan3A_332 step %scan3A_333  : i32 {
        %mul3A_336 = arith.constant 16 : i32
        %mul3A_337 = arith.muli %scan3A_335, %mul3A_336 : i32
        %add3A_338 = arith.constant 0 : i32
        %add3A_339 = arith.addi %add3A_338, %mul3A_337 : i32
        %get3A = arith.index_cast %add3A_339 : i32 to index
        %get3A_340 = tpu.vector_load %arg8[%get3A] {strides = array<i32>} : memref<3280xi32, #tpu.memory_space<vmem>>, vector<16xi32>,
        %gather3A = tpu.vector_load_idx %arg7[%get3A_340] : memref<1000xf32, #tpu.memory_space<vmem>>[vector<16xi32>], vector<16xf32>,
        %get3A_341 = arith.index_cast %add3A_339 : i32 to index
        %get3A_342 = tpu.vector_load %arg10[%get3A_341] {strides = array<i32>} : memref<3280xf32, #tpu.memory_space<vmem>>, vector<16xf32>,
        %add3A_343 = arith.addf %get3A_342, %gather3A : vector<16xf32>
        %swap3A = arith.index_cast %add3A_339 : i32 to index
        %swap3A_344 = tpu.vector_load %arg11[%swap3A] {strides = array<i32>} : memref<3280xf32, #tpu.memory_space<vmem>>, vector<16xf32>,
        tpu.vector_store %arg11[%swap3A], %add3A_343 {strides = array<i32>} : memref<3280xf32, #tpu.memory_space<vmem>>, vector<16xf32>,
      }
      %scan3A_334 = arith.constant 195 : i32
      "tpu.region"() ({
        %run_scoped3A = tpu.sem_alloc : memref<!tpu.dma_semaphore, #tpu.memory_space<semaphore_mem>>
        %dma_start3A_335 = arith.constant 0 : i32
        %dma_start3A_336 = tpu.memref_slice %arg11[%dma_start3A_335] : memref<3280xf32, #tpu.memory_space<vmem>> -> memref<3120xf32, #tpu.memory_space<vmem>>
        %dma_start3A_337 = tpu.memref_slice %arg6[%mul3A_2] : memref<100000xf32, #tpu.memory_space<hbm>> -> memref<3120xf32, #tpu.memory_space<hbm>>
        %dma_start3A_338 = tpu.memref_slice %arg6[%mul3A_2] : memref<100000xf32, #tpu.memory_space<hbm>> -> memref<3120xf32, #tpu.memory_space<hbm>>
        %dma_start3A_339 = arith.constant 0 : i32
        %dma_start3A_340 = tpu.memref_slice %arg11[%dma_start3A_339] : memref<3280xf32, #tpu.memory_space<vmem>> -> memref<3120xf32, #tpu.memory_space<vmem>>
        tpu.enqueue_dma source(%dma_start3A_340 : memref<3120xf32, #tpu.memory_space<vmem>>) target(%dma_start3A_338 : memref<3120xf32, #tpu.memory_space<hbm>>) target_semaphore(%run_scoped3A : memref<!tpu.dma_semaphore, #tpu.memory_space<semaphore_mem>>)
        %dma_wait3A_341 = arith.constant 0 : i32
        %dma_wait3A_342 = tpu.memref_slice %arg11[%dma_wait3A_341] : memref<3280xf32, #tpu.memory_space<vmem>> -> memref<3120xf32, #tpu.memory_space<vmem>>
        %dma_wait3A_343 = tpu.memref_slice %arg6[%mul3A_2] : memref<100000xf32, #tpu.memory_space<hbm>> -> memref<3120xf32, #tpu.memory_space<hbm>>
        %dma_wait3A_344 = tpu.memref_slice %arg6[%mul3A_2] : memref<100000xf32, #tpu.memory_space<hbm>> -> memref<3120xf32, #tpu.memory_space<hbm>>
        %dma_wait3A_345 = arith.constant 0 : i32
        %dma_wait3A_346 = tpu.memref_slice %arg11[%dma_wait3A_345] : memref<3280xf32, #tpu.memory_space<vmem>> -> memref<3120xf32, #tpu.memory_space<vmem>>
        tpu.wait_dma2 semaphore(%run_scoped3A : memref<!tpu.dma_semaphore, #tpu.memory_space<semaphore_mem>>) src(%dma_wait3A_346 : memref<3120xf32, #tpu.memory_space<vmem>>) dst(%dma_wait3A_344 : memref<3120xf32, #tpu.memory_space<hbm>>)
        tpu.yield
      }) : () -> ()
    } else {
    }
    %eq3A = arith.constant 31 : i32
    %eq3A_5 = arith.cmpi eq, %add3A, %eq3A : i32
    %convert_element_type3A_6 = arith.extui %eq3A_5 : i1 to i32
    %cond3A_7 = arith.constant 0 : i32
    %cond3A_8 = arith.cmpi ne, %convert_element_type3A_6, %cond3A_7 : i32
    scf.if %cond3A_8 {
      tpu.enqueue_dma source(%arg2 : memref<1000xf32, #tpu.memory_space<hbm>>) target(%arg7 : memref<1000xf32, #tpu.memory_space<vmem>>) target_semaphore(%arg13 : memref<!tpu.dma_semaphore, #tpu.memory_space<semaphore_mem>>)
      %dma_start3A = arith.constant 0 : i32
      %dma_start3A_9 = tpu.memref_slice %arg8[%dma_start3A] : memref<3280xi32, #tpu.memory_space<vmem>> -> memref<3280xi32, #tpu.memory_space<vmem>>
      %dma_start3A_10 = tpu.memref_slice %arg4[%mul3A_2] : memref<100000xi32, #tpu.memory_space<hbm>> -> memref<3280xi32, #tpu.memory_space<hbm>>
      %dma_start3A_11 = arith.constant 0 : i32
      %dma_start3A_12 = tpu.memref_slice %arg8[%dma_start3A_11] : memref<3280xi32, #tpu.memory_space<vmem>> -> memref<3280xi32, #tpu.memory_space<vmem>>
      %dma_start3A_13 = tpu.memref_slice %arg4[%mul3A_2] : memref<100000xi32, #tpu.memory_space<hbm>> -> memref<3280xi32, #tpu.memory_space<hbm>>
      tpu.enqueue_dma source(%dma_start3A_13 : memref<3280xi32, #tpu.memory_space<hbm>>) target(%dma_start3A_12 : memref<3280xi32, #tpu.memory_space<vmem>>) target_semaphore(%arg14 : memref<!tpu.dma_semaphore, #tpu.memory_space<semaphore_mem>>)
      %dma_start3A_14 = arith.constant 0 : i32
      %dma_start3A_15 = tpu.memref_slice %arg9[%dma_start3A_14] : memref<3280xi32, #tpu.memory_space<vmem>> -> memref<3280xi32, #tpu.memory_space<vmem>>
      %dma_start3A_16 = tpu.memref_slice %arg5[%mul3A_2] : memref<100000xi32, #tpu.memory_space<hbm>> -> memref<3280xi32, #tpu.memory_space<hbm>>
      %dma_start3A_17 = arith.constant 0 : i32
      %dma_start3A_18 = tpu.memref_slice %arg9[%dma_start3A_17] : memref<3280xi32, #tpu.memory_space<vmem>> -> memref<3280xi32, #tpu.memory_space<vmem>>
      %dma_start3A_19 = tpu.memref_slice %arg5[%mul3A_2] : memref<100000xi32, #tpu.memory_space<hbm>> -> memref<3280xi32, #tpu.memory_space<hbm>>
      tpu.enqueue_dma source(%dma_start3A_19 : memref<3280xi32, #tpu.memory_space<hbm>>) target(%dma_start3A_18 : memref<3280xi32, #tpu.memory_space<vmem>>) target_semaphore(%arg15 : memref<!tpu.dma_semaphore, #tpu.memory_space<semaphore_mem>>)
      %dma_wait3A = arith.constant 0 : i32
      %dma_wait3A_20 = tpu.memref_slice %arg9[%dma_wait3A] : memref<3280xi32, #tpu.memory_space<vmem>> -> memref<3280xi32, #tpu.memory_space<vmem>>
      %dma_wait3A_21 = tpu.memref_slice %arg5[%mul3A_2] : memref<100000xi32, #tpu.memory_space<hbm>> -> memref<3280xi32, #tpu.memory_space<hbm>>
      %dma_wait3A_22 = arith.constant 0 : i32
      %dma_wait3A_23 = tpu.memref_slice %arg9[%dma_wait3A_22] : memref<3280xi32, #tpu.memory_space<vmem>> -> memref<3280xi32, #tpu.memory_space<vmem>>
      %dma_wait3A_24 = tpu.memref_slice %arg5[%mul3A_2] : memref<100000xi32, #tpu.memory_space<hbm>> -> memref<3280xi32, #tpu.memory_space<hbm>>
      tpu.wait_dma2 semaphore(%arg15 : memref<!tpu.dma_semaphore, #tpu.memory_space<semaphore_mem>>) src(%dma_wait3A_24 : memref<3280xi32, #tpu.memory_space<hbm>>) dst(%dma_wait3A_23 : memref<3280xi32, #tpu.memory_space<vmem>>)
      %dma_start3A_25 = arith.constant 0 : i32
      %dma_start3A_26 = tpu.memref_slice %arg10[%dma_start3A_25] : memref<3280xf32, #tpu.memory_space<vmem>> -> memref<128xf32, #tpu.memory_space<vmem>>
      %dma_start3A_27 = arith.constant 0 : i32
      %dma_start3A_28 = tpu.memref_slice %arg9[%dma_start3A_27] : memref<3280xi32, #tpu.memory_space<vmem>> -> memref<128xi32, #tpu.memory_space<vmem>>
      %dma_start3A_29 = arith.constant 0 : i32
      %dma_start3A_30 = tpu.memref_slice %arg3[%dma_start3A_29] : memref<100000xf32, #tpu.memory_space<hbm>> -> memref<100000xf32, #tpu.memory_space<hbm>>
      tpu.enqueue_indirect_dma source(%dma_start3A_30 : memref<100000xf32, #tpu.memory_space<hbm>>) target(%dma_start3A_26 : memref<128xf32, #tpu.memory_space<vmem>>) offsets(%dma_start3A_28 : memref<128xi32, #tpu.memory_space<vmem>>) semaphore(%arg12 : memref<!tpu.dma_semaphore, #tpu.memory_space<semaphore_mem>>)
      %dma_start3A_31 = arith.constant 128 : i32
      %dma_start3A_32 = tpu.memref_slice %arg10[%dma_start3A_31] : memref<3280xf32, #tpu.memory_space<vmem>> -> memref<128xf32, #tpu.memory_space<vmem>>
      %dma_start3A_33 = arith.constant 128 : i32
      %dma_start3A_34 = tpu.memref_slice %arg9[%dma_start3A_33] : memref<3280xi32, #tpu.memory_space<vmem>> -> memref<128xi32, #tpu.memory_space<vmem>>
      %dma_start3A_35 = arith.constant 0 : i32
      %dma_start3A_36 = tpu.memref_slice %arg3[%dma_start3A_35] : memref<100000xf32, #tpu.memory_space<hbm>> -> memref<100000xf32, #tpu.memory_space<hbm>>
      tpu.enqueue_indirect_dma source(%dma_start3A_36 : memref<100000xf32, #tpu.memory_space<hbm>>) target(%dma_start3A_32 : memref<128xf32, #tpu.memory_space<vmem>>) offsets(%dma_start3A_34 : memref<128xi32, #tpu.memory_space<vmem>>) semaphore(%arg12 : memref<!tpu.dma_semaphore, #tpu.memory_space<semaphore_mem>>)
      %dma_start3A_37 = arith.constant 256 : i32
      %dma_start3A_38 = tpu.memref_slice %arg10[%dma_start3A_37] : memref<3280xf32, #tpu.memory_space<vmem>> -> memref<128xf32, #tpu.memory_space<vmem>>
      %dma_start3A_39 = arith.constant 256 : i32
      %dma_start3A_40 = tpu.memref_slice %arg9[%dma_start3A_39] : memref<3280xi32, #tpu.memory_space<vmem>> -> memref<128xi32, #tpu.memory_space<vmem>>
      %dma_start3A_41 = arith.constant 0 : i32
      %dma_start3A_42 = tpu.memref_slice %arg3[%dma_start3A_41] : memref<100000xf32, #tpu.memory_space<hbm>> -> memref<100000xf32, #tpu.memory_space<hbm>>
      tpu.enqueue_indirect_dma source(%dma_start3A_42 : memref<100000xf32, #tpu.memory_space<hbm>>) target(%dma_start3A_38 : memref<128xf32, #tpu.memory_space<vmem>>) offsets(%dma_start3A_40 : memref<128xi32, #tpu.memory_space<vmem>>) semaphore(%arg12 : memref<!tpu.dma_semaphore, #tpu.memory_space<semaphore_mem>>)
      %dma_start3A_43 = arith.constant 384 : i32
      %dma_start3A_44 = tpu.memref_slice %arg10[%dma_start3A_43] : memref<3280xf32, #tpu.memory_space<vmem>> -> memref<128xf32, #tpu.memory_space<vmem>>
      %dma_start3A_45 = arith.constant 384 : i32
      %dma_start3A_46 = tpu.memref_slice %arg9[%dma_start3A_45] : memref<3280xi32, #tpu.memory_space<vmem>> -> memref<128xi32, #tpu.memory_space<vmem>>
      %dma_start3A_47 = arith.constant 0 : i32
      %dma_start3A_48 = tpu.memref_slice %arg3[%dma_start3A_47] : memref<100000xf32, #tpu.memory_space<hbm>> -> memref<100000xf32, #tpu.memory_space<hbm>>
      tpu.enqueue_indirect_dma source(%dma_start3A_48 : memref<100000xf32, #tpu.memory_space<hbm>>) target(%dma_start3A_44 : memref<128xf32, #tpu.memory_space<vmem>>) offsets(%dma_start3A_46 : memref<128xi32, #tpu.memory_space<vmem>>) semaphore(%arg12 : memref<!tpu.dma_semaphore, #tpu.memory_space<semaphore_mem>>)
      %dma_start3A_49 = arith.constant 512 : i32
      %dma_start3A_50 = tpu.memref_slice %arg10[%dma_start3A_49] : memref<3280xf32, #tpu.memory_space<vmem>> -> memref<128xf32, #tpu.memory_space<vmem>>
      %dma_start3A_51 = arith.constant 512 : i32
      %dma_start3A_52 = tpu.memref_slice %arg9[%dma_start3A_51] : memref<3280xi32, #tpu.memory_space<vmem>> -> memref<128xi32, #tpu.memory_space<vmem>>
      %dma_start3A_53 = arith.constant 0 : i32
      %dma_start3A_54 = tpu.memref_slice %arg3[%dma_start3A_53] : memref<100000xf32, #tpu.memory_space<hbm>> -> memref<100000xf32, #tpu.memory_space<hbm>>
      tpu.enqueue_indirect_dma source(%dma_start3A_54 : memref<100000xf32, #tpu.memory_space<hbm>>) target(%dma_start3A_50 : memref<128xf32, #tpu.memory_space<vmem>>) offsets(%dma_start3A_52 : memref<128xi32, #tpu.memory_space<vmem>>) semaphore(%arg12 : memref<!tpu.dma_semaphore, #tpu.memory_space<semaphore_mem>>)
      %dma_start3A_55 = arith.constant 640 : i32
      %dma_start3A_56 = tpu.memref_slice %arg10[%dma_start3A_55] : memref<3280xf32, #tpu.memory_space<vmem>> -> memref<128xf32, #tpu.memory_space<vmem>>
      %dma_start3A_57 = arith.constant 640 : i32
      %dma_start3A_58 = tpu.memref_slice %arg9[%dma_start3A_57] : memref<3280xi32, #tpu.memory_space<vmem>> -> memref<128xi32, #tpu.memory_space<vmem>>
      %dma_start3A_59 = arith.constant 0 : i32
      %dma_start3A_60 = tpu.memref_slice %arg3[%dma_start3A_59] : memref<100000xf32, #tpu.memory_space<hbm>> -> memref<100000xf32, #tpu.memory_space<hbm>>
      tpu.enqueue_indirect_dma source(%dma_start3A_60 : memref<100000xf32, #tpu.memory_space<hbm>>) target(%dma_start3A_56 : memref<128xf32, #tpu.memory_space<vmem>>) offsets(%dma_start3A_58 : memref<128xi32, #tpu.memory_space<vmem>>) semaphore(%arg12 : memref<!tpu.dma_semaphore, #tpu.memory_space<semaphore_mem>>)
      %dma_start3A_61 = arith.constant 768 : i32
      %dma_start3A_62 = tpu.memref_slice %arg10[%dma_start3A_61] : memref<3280xf32, #tpu.memory_space<vmem>> -> memref<128xf32, #tpu.memory_space<vmem>>
      %dma_start3A_63 = arith.constant 768 : i32
      %dma_start3A_64 = tpu.memref_slice %arg9[%dma_start3A_63] : memref<3280xi32, #tpu.memory_space<vmem>> -> memref<128xi32, #tpu.memory_space<vmem>>
      %dma_start3A_65 = arith.constant 0 : i32
      %dma_start3A_66 = tpu.memref_slice %arg3[%dma_start3A_65] : memref<100000xf32, #tpu.memory_space<hbm>> -> memref<100000xf32, #tpu.memory_space<hbm>>
      tpu.enqueue_indirect_dma source(%dma_start3A_66 : memref<100000xf32, #tpu.memory_space<hbm>>) target(%dma_start3A_62 : memref<128xf32, #tpu.memory_space<vmem>>) offsets(%dma_start3A_64 : memref<128xi32, #tpu.memory_space<vmem>>) semaphore(%arg12 : memref<!tpu.dma_semaphore, #tpu.memory_space<semaphore_mem>>)
      %dma_start3A_67 = arith.constant 896 : i32
      %dma_start3A_68 = tpu.memref_slice %arg10[%dma_start3A_67] : memref<3280xf32, #tpu.memory_space<vmem>> -> memref<128xf32, #tpu.memory_space<vmem>>
      %dma_start3A_69 = arith.constant 896 : i32
      %dma_start3A_70 = tpu.memref_slice %arg9[%dma_start3A_69] : memref<3280xi32, #tpu.memory_space<vmem>> -> memref<128xi32, #tpu.memory_space<vmem>>
      %dma_start3A_71 = arith.constant 0 : i32
      %dma_start3A_72 = tpu.memref_slice %arg3[%dma_start3A_71] : memref<100000xf32, #tpu.memory_space<hbm>> -> memref<100000xf32, #tpu.memory_space<hbm>>
      tpu.enqueue_indirect_dma source(%dma_start3A_72 : memref<100000xf32, #tpu.memory_space<hbm>>) target(%dma_start3A_68 : memref<128xf32, #tpu.memory_space<vmem>>) offsets(%dma_start3A_70 : memref<128xi32, #tpu.memory_space<vmem>>) semaphore(%arg12 : memref<!tpu.dma_semaphore, #tpu.memory_space<semaphore_mem>>)
      %dma_start3A_73 = arith.constant 1024 : i32
      %dma_start3A_74 = tpu.memref_slice %arg10[%dma_start3A_73] : memref<3280xf32, #tpu.memory_space<vmem>> -> memref<128xf32, #tpu.memory_space<vmem>>
      %dma_start3A_75 = arith.constant 1024 : i32
      %dma_start3A_76 = tpu.memref_slice %arg9[%dma_start3A_75] : memref<3280xi32, #tpu.memory_space<vmem>> -> memref<128xi32, #tpu.memory_space<vmem>>
      %dma_start3A_77 = arith.constant 0 : i32
      %dma_start3A_78 = tpu.memref_slice %arg3[%dma_start3A_77] : memref<100000xf32, #tpu.memory_space<hbm>> -> memref<100000xf32, #tpu.memory_space<hbm>>
      tpu.enqueue_indirect_dma source(%dma_start3A_78 : memref<100000xf32, #tpu.memory_space<hbm>>) target(%dma_start3A_74 : memref<128xf32, #tpu.memory_space<vmem>>) offsets(%dma_start3A_76 : memref<128xi32, #tpu.memory_space<vmem>>) semaphore(%arg12 : memref<!tpu.dma_semaphore, #tpu.memory_space<semaphore_mem>>)
      %dma_start3A_79 = arith.constant 1152 : i32
      %dma_start3A_80 = tpu.memref_slice %arg10[%dma_start3A_79] : memref<3280xf32, #tpu.memory_space<vmem>> -> memref<128xf32, #tpu.memory_space<vmem>>
      %dma_start3A_81 = arith.constant 1152 : i32
      %dma_start3A_82 = tpu.memref_slice %arg9[%dma_start3A_81] : memref<3280xi32, #tpu.memory_space<vmem>> -> memref<128xi32, #tpu.memory_space<vmem>>
      %dma_start3A_83 = arith.constant 0 : i32
      %dma_start3A_84 = tpu.memref_slice %arg3[%dma_start3A_83] : memref<100000xf32, #tpu.memory_space<hbm>> -> memref<100000xf32, #tpu.memory_space<hbm>>
      tpu.enqueue_indirect_dma source(%dma_start3A_84 : memref<100000xf32, #tpu.memory_space<hbm>>) target(%dma_start3A_80 : memref<128xf32, #tpu.memory_space<vmem>>) offsets(%dma_start3A_82 : memref<128xi32, #tpu.memory_space<vmem>>) semaphore(%arg12 : memref<!tpu.dma_semaphore, #tpu.memory_space<semaphore_mem>>)
      %dma_start3A_85 = arith.constant 1280 : i32
      %dma_start3A_86 = tpu.memref_slice %arg10[%dma_start3A_85] : memref<3280xf32, #tpu.memory_space<vmem>> -> memref<128xf32, #tpu.memory_space<vmem>>
      %dma_start3A_87 = arith.constant 1280 : i32
      %dma_start3A_88 = tpu.memref_slice %arg9[%dma_start3A_87] : memref<3280xi32, #tpu.memory_space<vmem>> -> memref<128xi32, #tpu.memory_space<vmem>>
      %dma_start3A_89 = arith.constant 0 : i32
      %dma_start3A_90 = tpu.memref_slice %arg3[%dma_start3A_89] : memref<100000xf32, #tpu.memory_space<hbm>> -> memref<100000xf32, #tpu.memory_space<hbm>>
      tpu.enqueue_indirect_dma source(%dma_start3A_90 : memref<100000xf32, #tpu.memory_space<hbm>>) target(%dma_start3A_86 : memref<128xf32, #tpu.memory_space<vmem>>) offsets(%dma_start3A_88 : memref<128xi32, #tpu.memory_space<vmem>>) semaphore(%arg12 : memref<!tpu.dma_semaphore, #tpu.memory_space<semaphore_mem>>)
      %dma_start3A_91 = arith.constant 1408 : i32
      %dma_start3A_92 = tpu.memref_slice %arg10[%dma_start3A_91] : memref<3280xf32, #tpu.memory_space<vmem>> -> memref<128xf32, #tpu.memory_space<vmem>>
      %dma_start3A_93 = arith.constant 1408 : i32
      %dma_start3A_94 = tpu.memref_slice %arg9[%dma_start3A_93] : memref<3280xi32, #tpu.memory_space<vmem>> -> memref<128xi32, #tpu.memory_space<vmem>>
      %dma_start3A_95 = arith.constant 0 : i32
      %dma_start3A_96 = tpu.memref_slice %arg3[%dma_start3A_95] : memref<100000xf32, #tpu.memory_space<hbm>> -> memref<100000xf32, #tpu.memory_space<hbm>>
      tpu.enqueue_indirect_dma source(%dma_start3A_96 : memref<100000xf32, #tpu.memory_space<hbm>>) target(%dma_start3A_92 : memref<128xf32, #tpu.memory_space<vmem>>) offsets(%dma_start3A_94 : memref<128xi32, #tpu.memory_space<vmem>>) semaphore(%arg12 : memref<!tpu.dma_semaphore, #tpu.memory_space<semaphore_mem>>)
      %dma_start3A_97 = arith.constant 1536 : i32
      %dma_start3A_98 = tpu.memref_slice %arg10[%dma_start3A_97] : memref<3280xf32, #tpu.memory_space<vmem>> -> memref<128xf32, #tpu.memory_space<vmem>>
      %dma_start3A_99 = arith.constant 1536 : i32
      %dma_start3A_100 = tpu.memref_slice %arg9[%dma_start3A_99] : memref<3280xi32, #tpu.memory_space<vmem>> -> memref<128xi32, #tpu.memory_space<vmem>>
      %dma_start3A_101 = arith.constant 0 : i32
      %dma_start3A_102 = tpu.memref_slice %arg3[%dma_start3A_101] : memref<100000xf32, #tpu.memory_space<hbm>> -> memref<100000xf32, #tpu.memory_space<hbm>>
      tpu.enqueue_indirect_dma source(%dma_start3A_102 : memref<100000xf32, #tpu.memory_space<hbm>>) target(%dma_start3A_98 : memref<128xf32, #tpu.memory_space<vmem>>) offsets(%dma_start3A_100 : memref<128xi32, #tpu.memory_space<vmem>>) semaphore(%arg12 : memref<!tpu.dma_semaphore, #tpu.memory_space<semaphore_mem>>)
      %dma_start3A_103 = arith.constant 1664 : i32
      %dma_start3A_104 = tpu.memref_slice %arg10[%dma_start3A_103] : memref<3280xf32, #tpu.memory_space<vmem>> -> memref<128xf32, #tpu.memory_space<vmem>>
      %dma_start3A_105 = arith.constant 1664 : i32
      %dma_start3A_106 = tpu.memref_slice %arg9[%dma_start3A_105] : memref<3280xi32, #tpu.memory_space<vmem>> -> memref<128xi32, #tpu.memory_space<vmem>>
      %dma_start3A_107 = arith.constant 0 : i32
      %dma_start3A_108 = tpu.memref_slice %arg3[%dma_start3A_107] : memref<100000xf32, #tpu.memory_space<hbm>> -> memref<100000xf32, #tpu.memory_space<hbm>>
      tpu.enqueue_indirect_dma source(%dma_start3A_108 : memref<100000xf32, #tpu.memory_space<hbm>>) target(%dma_start3A_104 : memref<128xf32, #tpu.memory_space<vmem>>) offsets(%dma_start3A_106 : memref<128xi32, #tpu.memory_space<vmem>>) semaphore(%arg12 : memref<!tpu.dma_semaphore, #tpu.memory_space<semaphore_mem>>)
      %dma_start3A_109 = arith.constant 1792 : i32
      %dma_start3A_110 = tpu.memref_slice %arg10[%dma_start3A_109] : memref<3280xf32, #tpu.memory_space<vmem>> -> memref<128xf32, #tpu.memory_space<vmem>>
      %dma_start3A_111 = arith.constant 1792 : i32
      %dma_start3A_112 = tpu.memref_slice %arg9[%dma_start3A_111] : memref<3280xi32, #tpu.memory_space<vmem>> -> memref<128xi32, #tpu.memory_space<vmem>>
      %dma_start3A_113 = arith.constant 0 : i32
      %dma_start3A_114 = tpu.memref_slice %arg3[%dma_start3A_113] : memref<100000xf32, #tpu.memory_space<hbm>> -> memref<100000xf32, #tpu.memory_space<hbm>>
      tpu.enqueue_indirect_dma source(%dma_start3A_114 : memref<100000xf32, #tpu.memory_space<hbm>>) target(%dma_start3A_110 : memref<128xf32, #tpu.memory_space<vmem>>) offsets(%dma_start3A_112 : memref<128xi32, #tpu.memory_space<vmem>>) semaphore(%arg12 : memref<!tpu.dma_semaphore, #tpu.memory_space<semaphore_mem>>)
      %dma_start3A_115 = arith.constant 1920 : i32
      %dma_start3A_116 = tpu.memref_slice %arg10[%dma_start3A_115] : memref<3280xf32, #tpu.memory_space<vmem>> -> memref<128xf32, #tpu.memory_space<vmem>>
      %dma_start3A_117 = arith.constant 1920 : i32
      %dma_start3A_118 = tpu.memref_slice %arg9[%dma_start3A_117] : memref<3280xi32, #tpu.memory_space<vmem>> -> memref<128xi32, #tpu.memory_space<vmem>>
      %dma_start3A_119 = arith.constant 0 : i32
      %dma_start3A_120 = tpu.memref_slice %arg3[%dma_start3A_119] : memref<100000xf32, #tpu.memory_space<hbm>> -> memref<100000xf32, #tpu.memory_space<hbm>>
      tpu.enqueue_indirect_dma source(%dma_start3A_120 : memref<100000xf32, #tpu.memory_space<hbm>>) target(%dma_start3A_116 : memref<128xf32, #tpu.memory_space<vmem>>) offsets(%dma_start3A_118 : memref<128xi32, #tpu.memory_space<vmem>>) semaphore(%arg12 : memref<!tpu.dma_semaphore, #tpu.memory_space<semaphore_mem>>)
      %dma_start3A_121 = arith.constant 2048 : i32
      %dma_start3A_122 = tpu.memref_slice %arg10[%dma_start3A_121] : memref<3280xf32, #tpu.memory_space<vmem>> -> memref<128xf32, #tpu.memory_space<vmem>>
      %dma_start3A_123 = arith.constant 2048 : i32
      %dma_start3A_124 = tpu.memref_slice %arg9[%dma_start3A_123] : memref<3280xi32, #tpu.memory_space<vmem>> -> memref<128xi32, #tpu.memory_space<vmem>>
      %dma_start3A_125 = arith.constant 0 : i32
      %dma_start3A_126 = tpu.memref_slice %arg3[%dma_start3A_125] : memref<100000xf32, #tpu.memory_space<hbm>> -> memref<100000xf32, #tpu.memory_space<hbm>>
      tpu.enqueue_indirect_dma source(%dma_start3A_126 : memref<100000xf32, #tpu.memory_space<hbm>>) target(%dma_start3A_122 : memref<128xf32, #tpu.memory_space<vmem>>) offsets(%dma_start3A_124 : memref<128xi32, #tpu.memory_space<vmem>>) semaphore(%arg12 : memref<!tpu.dma_semaphore, #tpu.memory_space<semaphore_mem>>)
      %dma_start3A_127 = arith.constant 2176 : i32
      %dma_start3A_128 = tpu.memref_slice %arg10[%dma_start3A_127] : memref<3280xf32, #tpu.memory_space<vmem>> -> memref<128xf32, #tpu.memory_space<vmem>>
      %dma_start3A_129 = arith.constant 2176 : i32
      %dma_start3A_130 = tpu.memref_slice %arg9[%dma_start3A_129] : memref<3280xi32, #tpu.memory_space<vmem>> -> memref<128xi32, #tpu.memory_space<vmem>>
      %dma_start3A_131 = arith.constant 0 : i32
      %dma_start3A_132 = tpu.memref_slice %arg3[%dma_start3A_131] : memref<100000xf32, #tpu.memory_space<hbm>> -> memref<100000xf32, #tpu.memory_space<hbm>>
      tpu.enqueue_indirect_dma source(%dma_start3A_132 : memref<100000xf32, #tpu.memory_space<hbm>>) target(%dma_start3A_128 : memref<128xf32, #tpu.memory_space<vmem>>) offsets(%dma_start3A_130 : memref<128xi32, #tpu.memory_space<vmem>>) semaphore(%arg12 : memref<!tpu.dma_semaphore, #tpu.memory_space<semaphore_mem>>)
      %dma_start3A_133 = arith.constant 2304 : i32
      %dma_start3A_134 = tpu.memref_slice %arg10[%dma_start3A_133] : memref<3280xf32, #tpu.memory_space<vmem>> -> memref<128xf32, #tpu.memory_space<vmem>>
      %dma_start3A_135 = arith.constant 2304 : i32
      %dma_start3A_136 = tpu.memref_slice %arg9[%dma_start3A_135] : memref<3280xi32, #tpu.memory_space<vmem>> -> memref<128xi32, #tpu.memory_space<vmem>>
      %dma_start3A_137 = arith.constant 0 : i32
      %dma_start3A_138 = tpu.memref_slice %arg3[%dma_start3A_137] : memref<100000xf32, #tpu.memory_space<hbm>> -> memref<100000xf32, #tpu.memory_space<hbm>>
      tpu.enqueue_indirect_dma source(%dma_start3A_138 : memref<100000xf32, #tpu.memory_space<hbm>>) target(%dma_start3A_134 : memref<128xf32, #tpu.memory_space<vmem>>) offsets(%dma_start3A_136 : memref<128xi32, #tpu.memory_space<vmem>>) semaphore(%arg12 : memref<!tpu.dma_semaphore, #tpu.memory_space<semaphore_mem>>)
      %dma_start3A_139 = arith.constant 2432 : i32
      %dma_start3A_140 = tpu.memref_slice %arg10[%dma_start3A_139] : memref<3280xf32, #tpu.memory_space<vmem>> -> memref<128xf32, #tpu.memory_space<vmem>>
      %dma_start3A_141 = arith.constant 2432 : i32
      %dma_start3A_142 = tpu.memref_slice %arg9[%dma_start3A_141] : memref<3280xi32, #tpu.memory_space<vmem>> -> memref<128xi32, #tpu.memory_space<vmem>>
      %dma_start3A_143 = arith.constant 0 : i32
      %dma_start3A_144 = tpu.memref_slice %arg3[%dma_start3A_143] : memref<100000xf32, #tpu.memory_space<hbm>> -> memref<100000xf32, #tpu.memory_space<hbm>>
      tpu.enqueue_indirect_dma source(%dma_start3A_144 : memref<100000xf32, #tpu.memory_space<hbm>>) target(%dma_start3A_140 : memref<128xf32, #tpu.memory_space<vmem>>) offsets(%dma_start3A_142 : memref<128xi32, #tpu.memory_space<vmem>>) semaphore(%arg12 : memref<!tpu.dma_semaphore, #tpu.memory_space<semaphore_mem>>)
      %dma_start3A_145 = arith.constant 2560 : i32
      %dma_start3A_146 = tpu.memref_slice %arg10[%dma_start3A_145] : memref<3280xf32, #tpu.memory_space<vmem>> -> memref<128xf32, #tpu.memory_space<vmem>>
      %dma_start3A_147 = arith.constant 2560 : i32
      %dma_start3A_148 = tpu.memref_slice %arg9[%dma_start3A_147] : memref<3280xi32, #tpu.memory_space<vmem>> -> memref<128xi32, #tpu.memory_space<vmem>>
      %dma_start3A_149 = arith.constant 0 : i32
      %dma_start3A_150 = tpu.memref_slice %arg3[%dma_start3A_149] : memref<100000xf32, #tpu.memory_space<hbm>> -> memref<100000xf32, #tpu.memory_space<hbm>>
      tpu.enqueue_indirect_dma source(%dma_start3A_150 : memref<100000xf32, #tpu.memory_space<hbm>>) target(%dma_start3A_146 : memref<128xf32, #tpu.memory_space<vmem>>) offsets(%dma_start3A_148 : memref<128xi32, #tpu.memory_space<vmem>>) semaphore(%arg12 : memref<!tpu.dma_semaphore, #tpu.memory_space<semaphore_mem>>)
      %dma_start3A_151 = arith.constant 2688 : i32
      %dma_start3A_152 = tpu.memref_slice %arg10[%dma_start3A_151] : memref<3280xf32, #tpu.memory_space<vmem>> -> memref<128xf32, #tpu.memory_space<vmem>>
      %dma_start3A_153 = arith.constant 2688 : i32
      %dma_start3A_154 = tpu.memref_slice %arg9[%dma_start3A_153] : memref<3280xi32, #tpu.memory_space<vmem>> -> memref<128xi32, #tpu.memory_space<vmem>>
      %dma_start3A_155 = arith.constant 0 : i32
      %dma_start3A_156 = tpu.memref_slice %arg3[%dma_start3A_155] : memref<100000xf32, #tpu.memory_space<hbm>> -> memref<100000xf32, #tpu.memory_space<hbm>>
      tpu.enqueue_indirect_dma source(%dma_start3A_156 : memref<100000xf32, #tpu.memory_space<hbm>>) target(%dma_start3A_152 : memref<128xf32, #tpu.memory_space<vmem>>) offsets(%dma_start3A_154 : memref<128xi32, #tpu.memory_space<vmem>>) semaphore(%arg12 : memref<!tpu.dma_semaphore, #tpu.memory_space<semaphore_mem>>)
      %dma_start3A_157 = arith.constant 2816 : i32
      %dma_start3A_158 = tpu.memref_slice %arg10[%dma_start3A_157] : memref<3280xf32, #tpu.memory_space<vmem>> -> memref<128xf32, #tpu.memory_space<vmem>>
      %dma_start3A_159 = arith.constant 2816 : i32
      %dma_start3A_160 = tpu.memref_slice %arg9[%dma_start3A_159] : memref<3280xi32, #tpu.memory_space<vmem>> -> memref<128xi32, #tpu.memory_space<vmem>>
      %dma_start3A_161 = arith.constant 0 : i32
      %dma_start3A_162 = tpu.memref_slice %arg3[%dma_start3A_161] : memref<100000xf32, #tpu.memory_space<hbm>> -> memref<100000xf32, #tpu.memory_space<hbm>>
      tpu.enqueue_indirect_dma source(%dma_start3A_162 : memref<100000xf32, #tpu.memory_space<hbm>>) target(%dma_start3A_158 : memref<128xf32, #tpu.memory_space<vmem>>) offsets(%dma_start3A_160 : memref<128xi32, #tpu.memory_space<vmem>>) semaphore(%arg12 : memref<!tpu.dma_semaphore, #tpu.memory_space<semaphore_mem>>)
      %dma_start3A_163 = arith.constant 2944 : i32
      %dma_start3A_164 = tpu.memref_slice %arg10[%dma_start3A_163] : memref<3280xf32, #tpu.memory_space<vmem>> -> memref<128xf32, #tpu.memory_space<vmem>>
      %dma_start3A_165 = arith.constant 2944 : i32
      %dma_start3A_166 = tpu.memref_slice %arg9[%dma_start3A_165] : memref<3280xi32, #tpu.memory_space<vmem>> -> memref<128xi32, #tpu.memory_space<vmem>>
      %dma_start3A_167 = arith.constant 0 : i32
      %dma_start3A_168 = tpu.memref_slice %arg3[%dma_start3A_167] : memref<100000xf32, #tpu.memory_space<hbm>> -> memref<100000xf32, #tpu.memory_space<hbm>>
      tpu.enqueue_indirect_dma source(%dma_start3A_168 : memref<100000xf32, #tpu.memory_space<hbm>>) target(%dma_start3A_164 : memref<128xf32, #tpu.memory_space<vmem>>) offsets(%dma_start3A_166 : memref<128xi32, #tpu.memory_space<vmem>>) semaphore(%arg12 : memref<!tpu.dma_semaphore, #tpu.memory_space<semaphore_mem>>)
      %dma_start3A_169 = arith.constant 3072 : i32
      %dma_start3A_170 = tpu.memref_slice %arg10[%dma_start3A_169] : memref<3280xf32, #tpu.memory_space<vmem>> -> memref<128xf32, #tpu.memory_space<vmem>>
      %dma_start3A_171 = arith.constant 3072 : i32
      %dma_start3A_172 = tpu.memref_slice %arg9[%dma_start3A_171] : memref<3280xi32, #tpu.memory_space<vmem>> -> memref<128xi32, #tpu.memory_space<vmem>>
      %dma_start3A_173 = arith.constant 0 : i32
      %dma_start3A_174 = tpu.memref_slice %arg3[%dma_start3A_173] : memref<100000xf32, #tpu.memory_space<hbm>> -> memref<100000xf32, #tpu.memory_space<hbm>>
      tpu.enqueue_indirect_dma source(%dma_start3A_174 : memref<100000xf32, #tpu.memory_space<hbm>>) target(%dma_start3A_170 : memref<128xf32, #tpu.memory_space<vmem>>) offsets(%dma_start3A_172 : memref<128xi32, #tpu.memory_space<vmem>>) semaphore(%arg12 : memref<!tpu.dma_semaphore, #tpu.memory_space<semaphore_mem>>)
      %dma_start3A_175 = arith.constant 3200 : i32
      %dma_start3A_176 = tpu.memref_slice %arg10[%dma_start3A_175] : memref<3280xf32, #tpu.memory_space<vmem>> -> memref<80xf32, #tpu.memory_space<vmem>>
      %dma_start3A_177 = arith.constant 3200 : i32
      %dma_start3A_178 = tpu.memref_slice %arg9[%dma_start3A_177] : memref<3280xi32, #tpu.memory_space<vmem>> -> memref<80xi32, #tpu.memory_space<vmem>>
      %dma_start3A_179 = arith.constant 0 : i32
      %dma_start3A_180 = tpu.memref_slice %arg3[%dma_start3A_179] : memref<100000xf32, #tpu.memory_space<hbm>> -> memref<100000xf32, #tpu.memory_space<hbm>>
      tpu.enqueue_indirect_dma source(%dma_start3A_180 : memref<100000xf32, #tpu.memory_space<hbm>>) target(%dma_start3A_176 : memref<80xf32, #tpu.memory_space<vmem>>) offsets(%dma_start3A_178 : memref<80xi32, #tpu.memory_space<vmem>>) semaphore(%arg12 : memref<!tpu.dma_semaphore, #tpu.memory_space<semaphore_mem>>)
      tpu.wait_dma2 semaphore(%arg13 : memref<!tpu.dma_semaphore, #tpu.memory_space<semaphore_mem>>) src(%arg2 : memref<1000xf32, #tpu.memory_space<hbm>>) dst(%arg7 : memref<1000xf32, #tpu.memory_space<vmem>>)
      %dma_wait3A_181 = arith.constant 0 : i32
      %dma_wait3A_182 = tpu.memref_slice %arg8[%dma_wait3A_181] : memref<3280xi32, #tpu.memory_space<vmem>> -> memref<3280xi32, #tpu.memory_space<vmem>>
      %dma_wait3A_183 = tpu.memref_slice %arg4[%mul3A_2] : memref<100000xi32, #tpu.memory_space<hbm>> -> memref<3280xi32, #tpu.memory_space<hbm>>
      %dma_wait3A_184 = arith.constant 0 : i32
      %dma_wait3A_185 = tpu.memref_slice %arg8[%dma_wait3A_184] : memref<3280xi32, #tpu.memory_space<vmem>> -> memref<3280xi32, #tpu.memory_space<vmem>>
      %dma_wait3A_186 = tpu.memref_slice %arg4[%mul3A_2] : memref<100000xi32, #tpu.memory_space<hbm>> -> memref<3280xi32, #tpu.memory_space<hbm>>
      tpu.wait_dma2 semaphore(%arg14 : memref<!tpu.dma_semaphore, #tpu.memory_space<semaphore_mem>>) src(%dma_wait3A_186 : memref<3280xi32, #tpu.memory_space<hbm>>) dst(%dma_wait3A_185 : memref<3280xi32, #tpu.memory_space<vmem>>)
      %dma_wait3A_187 = arith.constant 0 : i32
      %dma_wait3A_188 = tpu.memref_slice %arg10[%dma_wait3A_187] : memref<3280xf32, #tpu.memory_space<vmem>> -> memref<128xf32, #tpu.memory_space<vmem>>
      %dma_wait3A_189 = arith.constant 0 : i32
      %dma_wait3A_190 = tpu.memref_slice %arg9[%dma_wait3A_189] : memref<3280xi32, #tpu.memory_space<vmem>> -> memref<128xi32, #tpu.memory_space<vmem>>
      %dma_wait3A_191 = arith.constant 0 : i32
      %dma_wait3A_192 = tpu.memref_slice %arg3[%dma_wait3A_191] : memref<100000xf32, #tpu.memory_space<hbm>> -> memref<100000xf32, #tpu.memory_space<hbm>>
      tpu.wait_indirect_dma semaphore(%arg12 : memref<!tpu.dma_semaphore, #tpu.memory_space<semaphore_mem>>) src(%dma_wait3A_192 : memref<100000xf32, #tpu.memory_space<hbm>>) dst(%dma_wait3A_188 : memref<128xf32, #tpu.memory_space<vmem>>)
      %dma_wait3A_193 = arith.constant 128 : i32
      %dma_wait3A_194 = tpu.memref_slice %arg10[%dma_wait3A_193] : memref<3280xf32, #tpu.memory_space<vmem>> -> memref<128xf32, #tpu.memory_space<vmem>>
      %dma_wait3A_195 = arith.constant 128 : i32
      %dma_wait3A_196 = tpu.memref_slice %arg9[%dma_wait3A_195] : memref<3280xi32, #tpu.memory_space<vmem>> -> memref<128xi32, #tpu.memory_space<vmem>>
      %dma_wait3A_197 = arith.constant 0 : i32
      %dma_wait3A_198 = tpu.memref_slice %arg3[%dma_wait3A_197] : memref<100000xf32, #tpu.memory_space<hbm>> -> memref<100000xf32, #tpu.memory_space<hbm>>
      tpu.wait_indirect_dma semaphore(%arg12 : memref<!tpu.dma_semaphore, #tpu.memory_space<semaphore_mem>>) src(%dma_wait3A_198 : memref<100000xf32, #tpu.memory_space<hbm>>) dst(%dma_wait3A_194 : memref<128xf32, #tpu.memory_space<vmem>>)
      %dma_wait3A_199 = arith.constant 256 : i32
      %dma_wait3A_200 = tpu.memref_slice %arg10[%dma_wait3A_199] : memref<3280xf32, #tpu.memory_space<vmem>> -> memref<128xf32, #tpu.memory_space<vmem>>
      %dma_wait3A_201 = arith.constant 256 : i32
      %dma_wait3A_202 = tpu.memref_slice %arg9[%dma_wait3A_201] : memref<3280xi32, #tpu.memory_space<vmem>> -> memref<128xi32, #tpu.memory_space<vmem>>
      %dma_wait3A_203 = arith.constant 0 : i32
      %dma_wait3A_204 = tpu.memref_slice %arg3[%dma_wait3A_203] : memref<100000xf32, #tpu.memory_space<hbm>> -> memref<100000xf32, #tpu.memory_space<hbm>>
      tpu.wait_indirect_dma semaphore(%arg12 : memref<!tpu.dma_semaphore, #tpu.memory_space<semaphore_mem>>) src(%dma_wait3A_204 : memref<100000xf32, #tpu.memory_space<hbm>>) dst(%dma_wait3A_200 : memref<128xf32, #tpu.memory_space<vmem>>)
      %dma_wait3A_205 = arith.constant 384 : i32
      %dma_wait3A_206 = tpu.memref_slice %arg10[%dma_wait3A_205] : memref<3280xf32, #tpu.memory_space<vmem>> -> memref<128xf32, #tpu.memory_space<vmem>>
      %dma_wait3A_207 = arith.constant 384 : i32
      %dma_wait3A_208 = tpu.memref_slice %arg9[%dma_wait3A_207] : memref<3280xi32, #tpu.memory_space<vmem>> -> memref<128xi32, #tpu.memory_space<vmem>>
      %dma_wait3A_209 = arith.constant 0 : i32
      %dma_wait3A_210 = tpu.memref_slice %arg3[%dma_wait3A_209] : memref<100000xf32, #tpu.memory_space<hbm>> -> memref<100000xf32, #tpu.memory_space<hbm>>
      tpu.wait_indirect_dma semaphore(%arg12 : memref<!tpu.dma_semaphore, #tpu.memory_space<semaphore_mem>>) src(%dma_wait3A_210 : memref<100000xf32, #tpu.memory_space<hbm>>) dst(%dma_wait3A_206 : memref<128xf32, #tpu.memory_space<vmem>>)
      %dma_wait3A_211 = arith.constant 512 : i32
      %dma_wait3A_212 = tpu.memref_slice %arg10[%dma_wait3A_211] : memref<3280xf32, #tpu.memory_space<vmem>> -> memref<128xf32, #tpu.memory_space<vmem>>
      %dma_wait3A_213 = arith.constant 512 : i32
      %dma_wait3A_214 = tpu.memref_slice %arg9[%dma_wait3A_213] : memref<3280xi32, #tpu.memory_space<vmem>> -> memref<128xi32, #tpu.memory_space<vmem>>
      %dma_wait3A_215 = arith.constant 0 : i32
      %dma_wait3A_216 = tpu.memref_slice %arg3[%dma_wait3A_215] : memref<100000xf32, #tpu.memory_space<hbm>> -> memref<100000xf32, #tpu.memory_space<hbm>>
      tpu.wait_indirect_dma semaphore(%arg12 : memref<!tpu.dma_semaphore, #tpu.memory_space<semaphore_mem>>) src(%dma_wait3A_216 : memref<100000xf32, #tpu.memory_space<hbm>>) dst(%dma_wait3A_212 : memref<128xf32, #tpu.memory_space<vmem>>)
      %dma_wait3A_217 = arith.constant 640 : i32
      %dma_wait3A_218 = tpu.memref_slice %arg10[%dma_wait3A_217] : memref<3280xf32, #tpu.memory_space<vmem>> -> memref<128xf32, #tpu.memory_space<vmem>>
      %dma_wait3A_219 = arith.constant 640 : i32
      %dma_wait3A_220 = tpu.memref_slice %arg9[%dma_wait3A_219] : memref<3280xi32, #tpu.memory_space<vmem>> -> memref<128xi32, #tpu.memory_space<vmem>>
      %dma_wait3A_221 = arith.constant 0 : i32
      %dma_wait3A_222 = tpu.memref_slice %arg3[%dma_wait3A_221] : memref<100000xf32, #tpu.memory_space<hbm>> -> memref<100000xf32, #tpu.memory_space<hbm>>
      tpu.wait_indirect_dma semaphore(%arg12 : memref<!tpu.dma_semaphore, #tpu.memory_space<semaphore_mem>>) src(%dma_wait3A_222 : memref<100000xf32, #tpu.memory_space<hbm>>) dst(%dma_wait3A_218 : memref<128xf32, #tpu.memory_space<vmem>>)
      %dma_wait3A_223 = arith.constant 768 : i32
      %dma_wait3A_224 = tpu.memref_slice %arg10[%dma_wait3A_223] : memref<3280xf32, #tpu.memory_space<vmem>> -> memref<128xf32, #tpu.memory_space<vmem>>
      %dma_wait3A_225 = arith.constant 768 : i32
      %dma_wait3A_226 = tpu.memref_slice %arg9[%dma_wait3A_225] : memref<3280xi32, #tpu.memory_space<vmem>> -> memref<128xi32, #tpu.memory_space<vmem>>
      %dma_wait3A_227 = arith.constant 0 : i32
      %dma_wait3A_228 = tpu.memref_slice %arg3[%dma_wait3A_227] : memref<100000xf32, #tpu.memory_space<hbm>> -> memref<100000xf32, #tpu.memory_space<hbm>>
      tpu.wait_indirect_dma semaphore(%arg12 : memref<!tpu.dma_semaphore, #tpu.memory_space<semaphore_mem>>) src(%dma_wait3A_228 : memref<100000xf32, #tpu.memory_space<hbm>>) dst(%dma_wait3A_224 : memref<128xf32, #tpu.memory_space<vmem>>)
      %dma_wait3A_229 = arith.constant 896 : i32
      %dma_wait3A_230 = tpu.memref_slice %arg10[%dma_wait3A_229] : memref<3280xf32, #tpu.memory_space<vmem>> -> memref<128xf32, #tpu.memory_space<vmem>>
      %dma_wait3A_231 = arith.constant 896 : i32
      %dma_wait3A_232 = tpu.memref_slice %arg9[%dma_wait3A_231] : memref<3280xi32, #tpu.memory_space<vmem>> -> memref<128xi32, #tpu.memory_space<vmem>>
      %dma_wait3A_233 = arith.constant 0 : i32
      %dma_wait3A_234 = tpu.memref_slice %arg3[%dma_wait3A_233] : memref<100000xf32, #tpu.memory_space<hbm>> -> memref<100000xf32, #tpu.memory_space<hbm>>
      tpu.wait_indirect_dma semaphore(%arg12 : memref<!tpu.dma_semaphore, #tpu.memory_space<semaphore_mem>>) src(%dma_wait3A_234 : memref<100000xf32, #tpu.memory_space<hbm>>) dst(%dma_wait3A_230 : memref<128xf32, #tpu.memory_space<vmem>>)
      %dma_wait3A_235 = arith.constant 1024 : i32
      %dma_wait3A_236 = tpu.memref_slice %arg10[%dma_wait3A_235] : memref<3280xf32, #tpu.memory_space<vmem>> -> memref<128xf32, #tpu.memory_space<vmem>>
      %dma_wait3A_237 = arith.constant 1024 : i32
      %dma_wait3A_238 = tpu.memref_slice %arg9[%dma_wait3A_237] : memref<3280xi32, #tpu.memory_space<vmem>> -> memref<128xi32, #tpu.memory_space<vmem>>
      %dma_wait3A_239 = arith.constant 0 : i32
      %dma_wait3A_240 = tpu.memref_slice %arg3[%dma_wait3A_239] : memref<100000xf32, #tpu.memory_space<hbm>> -> memref<100000xf32, #tpu.memory_space<hbm>>
      tpu.wait_indirect_dma semaphore(%arg12 : memref<!tpu.dma_semaphore, #tpu.memory_space<semaphore_mem>>) src(%dma_wait3A_240 : memref<100000xf32, #tpu.memory_space<hbm>>) dst(%dma_wait3A_236 : memref<128xf32, #tpu.memory_space<vmem>>)
      %dma_wait3A_241 = arith.constant 1152 : i32
      %dma_wait3A_242 = tpu.memref_slice %arg10[%dma_wait3A_241] : memref<3280xf32, #tpu.memory_space<vmem>> -> memref<128xf32, #tpu.memory_space<vmem>>
      %dma_wait3A_243 = arith.constant 1152 : i32
      %dma_wait3A_244 = tpu.memref_slice %arg9[%dma_wait3A_243] : memref<3280xi32, #tpu.memory_space<vmem>> -> memref<128xi32, #tpu.memory_space<vmem>>
      %dma_wait3A_245 = arith.constant 0 : i32
      %dma_wait3A_246 = tpu.memref_slice %arg3[%dma_wait3A_245] : memref<100000xf32, #tpu.memory_space<hbm>> -> memref<100000xf32, #tpu.memory_space<hbm>>
      tpu.wait_indirect_dma semaphore(%arg12 : memref<!tpu.dma_semaphore, #tpu.memory_space<semaphore_mem>>) src(%dma_wait3A_246 : memref<100000xf32, #tpu.memory_space<hbm>>) dst(%dma_wait3A_242 : memref<128xf32, #tpu.memory_space<vmem>>)
      %dma_wait3A_247 = arith.constant 1280 : i32
      %dma_wait3A_248 = tpu.memref_slice %arg10[%dma_wait3A_247] : memref<3280xf32, #tpu.memory_space<vmem>> -> memref<128xf32, #tpu.memory_space<vmem>>
      %dma_wait3A_249 = arith.constant 1280 : i32
      %dma_wait3A_250 = tpu.memref_slice %arg9[%dma_wait3A_249] : memref<3280xi32, #tpu.memory_space<vmem>> -> memref<128xi32, #tpu.memory_space<vmem>>
      %dma_wait3A_251 = arith.constant 0 : i32
      %dma_wait3A_252 = tpu.memref_slice %arg3[%dma_wait3A_251] : memref<100000xf32, #tpu.memory_space<hbm>> -> memref<100000xf32, #tpu.memory_space<hbm>>
      tpu.wait_indirect_dma semaphore(%arg12 : memref<!tpu.dma_semaphore, #tpu.memory_space<semaphore_mem>>) src(%dma_wait3A_252 : memref<100000xf32, #tpu.memory_space<hbm>>) dst(%dma_wait3A_248 : memref<128xf32, #tpu.memory_space<vmem>>)
      %dma_wait3A_253 = arith.constant 1408 : i32
      %dma_wait3A_254 = tpu.memref_slice %arg10[%dma_wait3A_253] : memref<3280xf32, #tpu.memory_space<vmem>> -> memref<128xf32, #tpu.memory_space<vmem>>
      %dma_wait3A_255 = arith.constant 1408 : i32
      %dma_wait3A_256 = tpu.memref_slice %arg9[%dma_wait3A_255] : memref<3280xi32, #tpu.memory_space<vmem>> -> memref<128xi32, #tpu.memory_space<vmem>>
      %dma_wait3A_257 = arith.constant 0 : i32
      %dma_wait3A_258 = tpu.memref_slice %arg3[%dma_wait3A_257] : memref<100000xf32, #tpu.memory_space<hbm>> -> memref<100000xf32, #tpu.memory_space<hbm>>
      tpu.wait_indirect_dma semaphore(%arg12 : memref<!tpu.dma_semaphore, #tpu.memory_space<semaphore_mem>>) src(%dma_wait3A_258 : memref<100000xf32, #tpu.memory_space<hbm>>) dst(%dma_wait3A_254 : memref<128xf32, #tpu.memory_space<vmem>>)
      %dma_wait3A_259 = arith.constant 1536 : i32
      %dma_wait3A_260 = tpu.memref_slice %arg10[%dma_wait3A_259] : memref<3280xf32, #tpu.memory_space<vmem>> -> memref<128xf32, #tpu.memory_space<vmem>>
      %dma_wait3A_261 = arith.constant 1536 : i32
      %dma_wait3A_262 = tpu.memref_slice %arg9[%dma_wait3A_261] : memref<3280xi32, #tpu.memory_space<vmem>> -> memref<128xi32, #tpu.memory_space<vmem>>
      %dma_wait3A_263 = arith.constant 0 : i32
      %dma_wait3A_264 = tpu.memref_slice %arg3[%dma_wait3A_263] : memref<100000xf32, #tpu.memory_space<hbm>> -> memref<100000xf32, #tpu.memory_space<hbm>>
      tpu.wait_indirect_dma semaphore(%arg12 : memref<!tpu.dma_semaphore, #tpu.memory_space<semaphore_mem>>) src(%dma_wait3A_264 : memref<100000xf32, #tpu.memory_space<hbm>>) dst(%dma_wait3A_260 : memref<128xf32, #tpu.memory_space<vmem>>)
      %dma_wait3A_265 = arith.constant 1664 : i32
      %dma_wait3A_266 = tpu.memref_slice %arg10[%dma_wait3A_265] : memref<3280xf32, #tpu.memory_space<vmem>> -> memref<128xf32, #tpu.memory_space<vmem>>
      %dma_wait3A_267 = arith.constant 1664 : i32
      %dma_wait3A_268 = tpu.memref_slice %arg9[%dma_wait3A_267] : memref<3280xi32, #tpu.memory_space<vmem>> -> memref<128xi32, #tpu.memory_space<vmem>>
      %dma_wait3A_269 = arith.constant 0 : i32
      %dma_wait3A_270 = tpu.memref_slice %arg3[%dma_wait3A_269] : memref<100000xf32, #tpu.memory_space<hbm>> -> memref<100000xf32, #tpu.memory_space<hbm>>
      tpu.wait_indirect_dma semaphore(%arg12 : memref<!tpu.dma_semaphore, #tpu.memory_space<semaphore_mem>>) src(%dma_wait3A_270 : memref<100000xf32, #tpu.memory_space<hbm>>) dst(%dma_wait3A_266 : memref<128xf32, #tpu.memory_space<vmem>>)
      %dma_wait3A_271 = arith.constant 1792 : i32
      %dma_wait3A_272 = tpu.memref_slice %arg10[%dma_wait3A_271] : memref<3280xf32, #tpu.memory_space<vmem>> -> memref<128xf32, #tpu.memory_space<vmem>>
      %dma_wait3A_273 = arith.constant 1792 : i32
      %dma_wait3A_274 = tpu.memref_slice %arg9[%dma_wait3A_273] : memref<3280xi32, #tpu.memory_space<vmem>> -> memref<128xi32, #tpu.memory_space<vmem>>
      %dma_wait3A_275 = arith.constant 0 : i32
      %dma_wait3A_276 = tpu.memref_slice %arg3[%dma_wait3A_275] : memref<100000xf32, #tpu.memory_space<hbm>> -> memref<100000xf32, #tpu.memory_space<hbm>>
      tpu.wait_indirect_dma semaphore(%arg12 : memref<!tpu.dma_semaphore, #tpu.memory_space<semaphore_mem>>) src(%dma_wait3A_276 : memref<100000xf32, #tpu.memory_space<hbm>>) dst(%dma_wait3A_272 : memref<128xf32, #tpu.memory_space<vmem>>)
      %dma_wait3A_277 = arith.constant 1920 : i32
      %dma_wait3A_278 = tpu.memref_slice %arg10[%dma_wait3A_277] : memref<3280xf32, #tpu.memory_space<vmem>> -> memref<128xf32, #tpu.memory_space<vmem>>
      %dma_wait3A_279 = arith.constant 1920 : i32
      %dma_wait3A_280 = tpu.memref_slice %arg9[%dma_wait3A_279] : memref<3280xi32, #tpu.memory_space<vmem>> -> memref<128xi32, #tpu.memory_space<vmem>>
      %dma_wait3A_281 = arith.constant 0 : i32
      %dma_wait3A_282 = tpu.memref_slice %arg3[%dma_wait3A_281] : memref<100000xf32, #tpu.memory_space<hbm>> -> memref<100000xf32, #tpu.memory_space<hbm>>
      tpu.wait_indirect_dma semaphore(%arg12 : memref<!tpu.dma_semaphore, #tpu.memory_space<semaphore_mem>>) src(%dma_wait3A_282 : memref<100000xf32, #tpu.memory_space<hbm>>) dst(%dma_wait3A_278 : memref<128xf32, #tpu.memory_space<vmem>>)
      %dma_wait3A_283 = arith.constant 2048 : i32
      %dma_wait3A_284 = tpu.memref_slice %arg10[%dma_wait3A_283] : memref<3280xf32, #tpu.memory_space<vmem>> -> memref<128xf32, #tpu.memory_space<vmem>>
      %dma_wait3A_285 = arith.constant 2048 : i32
      %dma_wait3A_286 = tpu.memref_slice %arg9[%dma_wait3A_285] : memref<3280xi32, #tpu.memory_space<vmem>> -> memref<128xi32, #tpu.memory_space<vmem>>
      %dma_wait3A_287 = arith.constant 0 : i32
      %dma_wait3A_288 = tpu.memref_slice %arg3[%dma_wait3A_287] : memref<100000xf32, #tpu.memory_space<hbm>> -> memref<100000xf32, #tpu.memory_space<hbm>>
      tpu.wait_indirect_dma semaphore(%arg12 : memref<!tpu.dma_semaphore, #tpu.memory_space<semaphore_mem>>) src(%dma_wait3A_288 : memref<100000xf32, #tpu.memory_space<hbm>>) dst(%dma_wait3A_284 : memref<128xf32, #tpu.memory_space<vmem>>)
      %dma_wait3A_289 = arith.constant 2176 : i32
      %dma_wait3A_290 = tpu.memref_slice %arg10[%dma_wait3A_289] : memref<3280xf32, #tpu.memory_space<vmem>> -> memref<128xf32, #tpu.memory_space<vmem>>
      %dma_wait3A_291 = arith.constant 2176 : i32
      %dma_wait3A_292 = tpu.memref_slice %arg9[%dma_wait3A_291] : memref<3280xi32, #tpu.memory_space<vmem>> -> memref<128xi32, #tpu.memory_space<vmem>>
      %dma_wait3A_293 = arith.constant 0 : i32
      %dma_wait3A_294 = tpu.memref_slice %arg3[%dma_wait3A_293] : memref<100000xf32, #tpu.memory_space<hbm>> -> memref<100000xf32, #tpu.memory_space<hbm>>
      tpu.wait_indirect_dma semaphore(%arg12 : memref<!tpu.dma_semaphore, #tpu.memory_space<semaphore_mem>>) src(%dma_wait3A_294 : memref<100000xf32, #tpu.memory_space<hbm>>) dst(%dma_wait3A_290 : memref<128xf32, #tpu.memory_space<vmem>>)
      %dma_wait3A_295 = arith.constant 2304 : i32
      %dma_wait3A_296 = tpu.memref_slice %arg10[%dma_wait3A_295] : memref<3280xf32, #tpu.memory_space<vmem>> -> memref<128xf32, #tpu.memory_space<vmem>>
      %dma_wait3A_297 = arith.constant 2304 : i32
      %dma_wait3A_298 = tpu.memref_slice %arg9[%dma_wait3A_297] : memref<3280xi32, #tpu.memory_space<vmem>> -> memref<128xi32, #tpu.memory_space<vmem>>
      %dma_wait3A_299 = arith.constant 0 : i32
      %dma_wait3A_300 = tpu.memref_slice %arg3[%dma_wait3A_299] : memref<100000xf32, #tpu.memory_space<hbm>> -> memref<100000xf32, #tpu.memory_space<hbm>>
      tpu.wait_indirect_dma semaphore(%arg12 : memref<!tpu.dma_semaphore, #tpu.memory_space<semaphore_mem>>) src(%dma_wait3A_300 : memref<100000xf32, #tpu.memory_space<hbm>>) dst(%dma_wait3A_296 : memref<128xf32, #tpu.memory_space<vmem>>)
      %dma_wait3A_301 = arith.constant 2432 : i32
      %dma_wait3A_302 = tpu.memref_slice %arg10[%dma_wait3A_301] : memref<3280xf32, #tpu.memory_space<vmem>> -> memref<128xf32, #tpu.memory_space<vmem>>
      %dma_wait3A_303 = arith.constant 2432 : i32
      %dma_wait3A_304 = tpu.memref_slice %arg9[%dma_wait3A_303] : memref<3280xi32, #tpu.memory_space<vmem>> -> memref<128xi32, #tpu.memory_space<vmem>>
      %dma_wait3A_305 = arith.constant 0 : i32
      %dma_wait3A_306 = tpu.memref_slice %arg3[%dma_wait3A_305] : memref<100000xf32, #tpu.memory_space<hbm>> -> memref<100000xf32, #tpu.memory_space<hbm>>
      tpu.wait_indirect_dma semaphore(%arg12 : memref<!tpu.dma_semaphore, #tpu.memory_space<semaphore_mem>>) src(%dma_wait3A_306 : memref<100000xf32, #tpu.memory_space<hbm>>) dst(%dma_wait3A_302 : memref<128xf32, #tpu.memory_space<vmem>>)
      %dma_wait3A_307 = arith.constant 2560 : i32
      %dma_wait3A_308 = tpu.memref_slice %arg10[%dma_wait3A_307] : memref<3280xf32, #tpu.memory_space<vmem>> -> memref<128xf32, #tpu.memory_space<vmem>>
      %dma_wait3A_309 = arith.constant 2560 : i32
      %dma_wait3A_310 = tpu.memref_slice %arg9[%dma_wait3A_309] : memref<3280xi32, #tpu.memory_space<vmem>> -> memref<128xi32, #tpu.memory_space<vmem>>
      %dma_wait3A_311 = arith.constant 0 : i32
      %dma_wait3A_312 = tpu.memref_slice %arg3[%dma_wait3A_311] : memref<100000xf32, #tpu.memory_space<hbm>> -> memref<100000xf32, #tpu.memory_space<hbm>>
      tpu.wait_indirect_dma semaphore(%arg12 : memref<!tpu.dma_semaphore, #tpu.memory_space<semaphore_mem>>) src(%dma_wait3A_312 : memref<100000xf32, #tpu.memory_space<hbm>>) dst(%dma_wait3A_308 : memref<128xf32, #tpu.memory_space<vmem>>)
      %dma_wait3A_313 = arith.constant 2688 : i32
      %dma_wait3A_314 = tpu.memref_slice %arg10[%dma_wait3A_313] : memref<3280xf32, #tpu.memory_space<vmem>> -> memref<128xf32, #tpu.memory_space<vmem>>
      %dma_wait3A_315 = arith.constant 2688 : i32
      %dma_wait3A_316 = tpu.memref_slice %arg9[%dma_wait3A_315] : memref<3280xi32, #tpu.memory_space<vmem>> -> memref<128xi32, #tpu.memory_space<vmem>>
      %dma_wait3A_317 = arith.constant 0 : i32
      %dma_wait3A_318 = tpu.memref_slice %arg3[%dma_wait3A_317] : memref<100000xf32, #tpu.memory_space<hbm>> -> memref<100000xf32, #tpu.memory_space<hbm>>
      tpu.wait_indirect_dma semaphore(%arg12 : memref<!tpu.dma_semaphore, #tpu.memory_space<semaphore_mem>>) src(%dma_wait3A_318 : memref<100000xf32, #tpu.memory_space<hbm>>) dst(%dma_wait3A_314 : memref<128xf32, #tpu.memory_space<vmem>>)
      %dma_wait3A_319 = arith.constant 2816 : i32
      %dma_wait3A_320 = tpu.memref_slice %arg10[%dma_wait3A_319] : memref<3280xf32, #tpu.memory_space<vmem>> -> memref<128xf32, #tpu.memory_space<vmem>>
      %dma_wait3A_321 = arith.constant 2816 : i32
      %dma_wait3A_322 = tpu.memref_slice %arg9[%dma_wait3A_321] : memref<3280xi32, #tpu.memory_space<vmem>> -> memref<128xi32, #tpu.memory_space<vmem>>
      %dma_wait3A_323 = arith.constant 0 : i32
      %dma_wait3A_324 = tpu.memref_slice %arg3[%dma_wait3A_323] : memref<100000xf32, #tpu.memory_space<hbm>> -> memref<100000xf32, #tpu.memory_space<hbm>>
      tpu.wait_indirect_dma semaphore(%arg12 : memref<!tpu.dma_semaphore, #tpu.memory_space<semaphore_mem>>) src(%dma_wait3A_324 : memref<100000xf32, #tpu.memory_space<hbm>>) dst(%dma_wait3A_320 : memref<128xf32, #tpu.memory_space<vmem>>)
      %dma_wait3A_325 = arith.constant 2944 : i32
      %dma_wait3A_326 = tpu.memref_slice %arg10[%dma_wait3A_325] : memref<3280xf32, #tpu.memory_space<vmem>> -> memref<128xf32, #tpu.memory_space<vmem>>
      %dma_wait3A_327 = arith.constant 2944 : i32
      %dma_wait3A_328 = tpu.memref_slice %arg9[%dma_wait3A_327] : memref<3280xi32, #tpu.memory_space<vmem>> -> memref<128xi32, #tpu.memory_space<vmem>>
      %dma_wait3A_329 = arith.constant 0 : i32
      %dma_wait3A_330 = tpu.memref_slice %arg3[%dma_wait3A_329] : memref<100000xf32, #tpu.memory_space<hbm>> -> memref<100000xf32, #tpu.memory_space<hbm>>
      tpu.wait_indirect_dma semaphore(%arg12 : memref<!tpu.dma_semaphore, #tpu.memory_space<semaphore_mem>>) src(%dma_wait3A_330 : memref<100000xf32, #tpu.memory_space<hbm>>) dst(%dma_wait3A_326 : memref<128xf32, #tpu.memory_space<vmem>>)
      %dma_wait3A_331 = arith.constant 3072 : i32
      %dma_wait3A_332 = tpu.memref_slice %arg10[%dma_wait3A_331] : memref<3280xf32, #tpu.memory_space<vmem>> -> memref<128xf32, #tpu.memory_space<vmem>>
      %dma_wait3A_333 = arith.constant 3072 : i32
      %dma_wait3A_334 = tpu.memref_slice %arg9[%dma_wait3A_333] : memref<3280xi32, #tpu.memory_space<vmem>> -> memref<128xi32, #tpu.memory_space<vmem>>
      %dma_wait3A_335 = arith.constant 0 : i32
      %dma_wait3A_336 = tpu.memref_slice %arg3[%dma_wait3A_335] : memref<100000xf32, #tpu.memory_space<hbm>> -> memref<100000xf32, #tpu.memory_space<hbm>>
      tpu.wait_indirect_dma semaphore(%arg12 : memref<!tpu.dma_semaphore, #tpu.memory_space<semaphore_mem>>) src(%dma_wait3A_336 : memref<100000xf32, #tpu.memory_space<hbm>>) dst(%dma_wait3A_332 : memref<128xf32, #tpu.memory_space<vmem>>)
      %dma_wait3A_337 = arith.constant 3200 : i32
      %dma_wait3A_338 = tpu.memref_slice %arg10[%dma_wait3A_337] : memref<3280xf32, #tpu.memory_space<vmem>> -> memref<80xf32, #tpu.memory_space<vmem>>
      %dma_wait3A_339 = arith.constant 3200 : i32
      %dma_wait3A_340 = tpu.memref_slice %arg9[%dma_wait3A_339] : memref<3280xi32, #tpu.memory_space<vmem>> -> memref<80xi32, #tpu.memory_space<vmem>>
      %dma_wait3A_341 = arith.constant 0 : i32
      %dma_wait3A_342 = tpu.memref_slice %arg3[%dma_wait3A_341] : memref<100000xf32, #tpu.memory_space<hbm>> -> memref<100000xf32, #tpu.memory_space<hbm>>
      tpu.wait_indirect_dma semaphore(%arg12 : memref<!tpu.dma_semaphore, #tpu.memory_space<semaphore_mem>>) src(%dma_wait3A_342 : memref<100000xf32, #tpu.memory_space<hbm>>) dst(%dma_wait3A_338 : memref<80xf32, #tpu.memory_space<vmem>>)
      %scan3A = arith.constant 0 : i32
      %scan3A_343 = arith.constant 205 : i32
      %scan3A_344 = arith.addi %scan3A, %scan3A_343 : i32
      %scan3A_345 = arith.constant 1 : i32
      scf.for %scan3A_347 = %scan3A to %scan3A_344 step %scan3A_345  : i32 {
        %mul3A_348 = arith.constant 16 : i32
        %mul3A_349 = arith.muli %scan3A_347, %mul3A_348 : i32
        %add3A_350 = arith.constant 0 : i32
        %add3A_351 = arith.addi %add3A_350, %mul3A_349 : i32
        %get3A = arith.index_cast %add3A_351 : i32 to index
        %get3A_352 = tpu.vector_load %arg8[%get3A] {strides = array<i32>} : memref<3280xi32, #tpu.memory_space<vmem>>, vector<16xi32>,
        %gather3A = tpu.vector_load_idx %arg7[%get3A_352] : memref<1000xf32, #tpu.memory_space<vmem>>[vector<16xi32>], vector<16xf32>,
        %get3A_353 = arith.index_cast %add3A_351 : i32 to index
        %get3A_354 = tpu.vector_load %arg10[%get3A_353] {strides = array<i32>} : memref<3280xf32, #tpu.memory_space<vmem>>, vector<16xf32>,
        %add3A_355 = arith.addf %get3A_354, %gather3A : vector<16xf32>
        %swap3A = arith.index_cast %add3A_351 : i32 to index
        %swap3A_356 = tpu.vector_load %arg11[%swap3A] {strides = array<i32>} : memref<3280xf32, #tpu.memory_space<vmem>>, vector<16xf32>,
        tpu.vector_store %arg11[%swap3A], %add3A_355 {strides = array<i32>} : memref<3280xf32, #tpu.memory_space<vmem>>, vector<16xf32>,
      }
      %scan3A_346 = arith.constant 205 : i32
      "tpu.region"() ({
        %run_scoped3A = tpu.sem_alloc : memref<!tpu.dma_semaphore, #tpu.memory_space<semaphore_mem>>
        %dma_start3A_347 = arith.constant 0 : i32
        %dma_start3A_348 = tpu.memref_slice %arg11[%dma_start3A_347] : memref<3280xf32, #tpu.memory_space<vmem>> -> memref<3280xf32, #tpu.memory_space<vmem>>
        %dma_start3A_349 = tpu.memref_slice %arg6[%mul3A_2] : memref<100000xf32, #tpu.memory_space<hbm>> -> memref<3280xf32, #tpu.memory_space<hbm>>
        %dma_start3A_350 = tpu.memref_slice %arg6[%mul3A_2] : memref<100000xf32, #tpu.memory_space<hbm>> -> memref<3280xf32, #tpu.memory_space<hbm>>
        %dma_start3A_351 = arith.constant 0 : i32
        %dma_start3A_352 = tpu.memref_slice %arg11[%dma_start3A_351] : memref<3280xf32, #tpu.memory_space<vmem>> -> memref<3280xf32, #tpu.memory_space<vmem>>
        tpu.enqueue_dma source(%dma_start3A_352 : memref<3280xf32, #tpu.memory_space<vmem>>) target(%dma_start3A_350 : memref<3280xf32, #tpu.memory_space<hbm>>) target_semaphore(%run_scoped3A : memref<!tpu.dma_semaphore, #tpu.memory_space<semaphore_mem>>)
        %dma_wait3A_353 = arith.constant 0 : i32
        %dma_wait3A_354 = tpu.memref_slice %arg11[%dma_wait3A_353] : memref<3280xf32, #tpu.memory_space<vmem>> -> memref<3280xf32, #tpu.memory_space<vmem>>
        %dma_wait3A_355 = tpu.memref_slice %arg6[%mul3A_2] : memref<100000xf32, #tpu.memory_space<hbm>> -> memref<3280xf32, #tpu.memory_space<hbm>>
        %dma_wait3A_356 = tpu.memref_slice %arg6[%mul3A_2] : memref<100000xf32, #tpu.memory_space<hbm>> -> memref<3280xf32, #tpu.memory_space<hbm>>
        %dma_wait3A_357 = arith.constant 0 : i32
        %dma_wait3A_358 = tpu.memref_slice %arg11[%dma_wait3A_357] : memref<3280xf32, #tpu.memory_space<vmem>> -> memref<3280xf32, #tpu.memory_space<vmem>>
        tpu.wait_dma2 semaphore(%run_scoped3A : memref<!tpu.dma_semaphore, #tpu.memory_space<semaphore_mem>>) src(%dma_wait3A_358 : memref<3280xf32, #tpu.memory_space<vmem>>) dst(%dma_wait3A_356 : memref<3280xf32, #tpu.memory_space<hbm>>)
        tpu.yield
      }) : () -> ()
    } else {
    }
    return
  }
}

module attributes {stable_mosaic.version = 14 : i64} {
  func.func @_scores_body(%arg0: i32, %arg1: memref<1x128xf32, #tpu.memory_space<vmem>>, %arg2: memref<1x128xf32, #tpu.memory_space<vmem>>, %arg3: memref<256x256xf32, #tpu.memory_space<vmem>>, %arg4: memref<1x256xf32, #tpu.memory_space<vmem>>, %arg5: memref<256x256xf32, #tpu.memory_space<vmem>>, %arg6: memref<1x256xf32, #tpu.memory_space<vmem>>, %arg7: memref<1000x128xf32, #tpu.memory_space<vmem>>, %arg8: memref<20480x128xf32, #tpu.memory_space<vmem>>, %arg9: memref<20480xf32, #tpu.memory_space<vmem>>, %arg10: memref<1000xf32, #tpu.memory_space<vmem>>, %arg11: memref<1x128xf32, #tpu.memory_space<vmem>>) attributes {dimension_semantics = [#tpu.dimension_semantics<arbitrary>], iteration_bounds = array<i64: 5>, scalar_prefetch = 0 : i64, scratch_operands = 1 : i64, tpu.core_type = #tpu.core_type<tc>, window_params = [{pipeline_mode = #tpu.pipeline_mode<synchronous>, transform_indices = @transform_0, window_bounds = array<i64: 1, 128>}, {pipeline_mode = #tpu.pipeline_mode<synchronous>, transform_indices = @transform_1, window_bounds = array<i64: 1, 128>}, {pipeline_mode = #tpu.pipeline_mode<synchronous>, transform_indices = @transform_2, window_bounds = array<i64: 256, 256>}, {pipeline_mode = #tpu.pipeline_mode<synchronous>, transform_indices = @transform_3, window_bounds = array<i64: 1, 256>}, {pipeline_mode = #tpu.pipeline_mode<synchronous>, transform_indices = @transform_4, window_bounds = array<i64: 256, 256>}, {pipeline_mode = #tpu.pipeline_mode<synchronous>, transform_indices = @transform_5, window_bounds = array<i64: 1, 256>}, {pipeline_mode = #tpu.pipeline_mode<synchronous>, transform_indices = @transform_6, window_bounds = array<i64: 1000, 128>}, {transform_indices = @transform_7, window_bounds = array<i64: 20480, 128>}, {transform_indices = @transform_8, window_bounds = array<i64: 20480>}, {pipeline_mode = #tpu.pipeline_mode<synchronous>, transform_indices = @transform_9, window_bounds = array<i64: 1000>}]} {
    %eq3A = arith.constant 0 : i32
    %eq3A_0 = arith.cmpi eq, %arg0, %eq3A : i32
    %convert_element_type3A = arith.extui %eq3A_0 : i1 to i32
    %cond3A = arith.constant 0 : i32
    %cond3A_1 = arith.cmpi ne, %convert_element_type3A, %cond3A : i32
    scf.if %cond3A_1 {
      %get3A_9 = arith.constant 0 : index
      %get3A_10 = arith.constant 0 : index
      %get3A_11 = vector.load %arg1[%get3A_9, %get3A_10] : memref<1x128xf32, #tpu.memory_space<vmem>>, vector<1x128xf32>
      %get3A_12 = arith.constant 0 : index
      %get3A_13 = arith.constant 0 : index
      %get3A_14 = vector.load %arg2[%get3A_12, %get3A_13] : memref<1x128xf32, #tpu.memory_space<vmem>>, vector<1x128xf32>
      %concatenate3A = tpu.concatenate %get3A_11, %get3A_14 in 1 : vector<1x128xf32>, vector<1x128xf32> -> vector<1x256xf32>
      %get3A_15 = arith.constant 0 : index
      %get3A_16 = arith.constant 0 : index
      %get3A_17 = vector.load %arg3[%get3A_15, %get3A_16] : memref<256x256xf32, #tpu.memory_space<vmem>>, vector<256x256xf32>
      %dot_general3A_18 = arith.constant dense<0.000000e+00> : vector<1x256xf32>
      %dot_general3A_19 = tpu.matmul %concatenate3A, %get3A_17, %dot_general3A_18 {dimension_numbers = #tpu.dot_dimension_numbers<[1], [0], [0], [1], [0, 0, 1, 1], [], []>, transpose_lhs_hint = false} : vector<1x256xf32>, vector<256x256xf32>, vector<1x256xf32> -> vector<1x256xf32>
      %get3A_20 = arith.constant 0 : index
      %get3A_21 = arith.constant 0 : index
      %get3A_22 = vector.load %arg4[%get3A_20, %get3A_21] : memref<1x256xf32, #tpu.memory_space<vmem>>, vector<1x256xf32>
      %add3A = arith.addf %dot_general3A_19, %get3A_22 : vector<1x256xf32>
      %max3A = arith.constant 0.000000e+00 : f32
      %max3A_23 = vector.broadcast %max3A : f32 to vector<1x256xf32>
      %max3A_24 = arith.maximumf %add3A, %max3A_23 : vector<1x256xf32>
      %get3A_25 = arith.constant 0 : index
      %get3A_26 = arith.constant 0 : index
      %get3A_27 = vector.load %arg5[%get3A_25, %get3A_26] : memref<256x256xf32, #tpu.memory_space<vmem>>, vector<256x256xf32>
      %dot_general3A_28 = arith.constant dense<0.000000e+00> : vector<1x256xf32>
      %dot_general3A_29 = tpu.matmul %max3A_24, %get3A_27, %dot_general3A_28 {dimension_numbers = #tpu.dot_dimension_numbers<[1], [0], [0], [1], [0, 0, 1, 1], [], []>, transpose_lhs_hint = false} : vector<1x256xf32>, vector<256x256xf32>, vector<1x256xf32> -> vector<1x256xf32>
      %get3A_30 = arith.constant 0 : index
      %get3A_31 = arith.constant 0 : index
      %get3A_32 = vector.load %arg6[%get3A_30, %get3A_31] : memref<1x256xf32, #tpu.memory_space<vmem>>, vector<1x256xf32>
      %add3A_33 = arith.addf %dot_general3A_29, %get3A_32 : vector<1x256xf32>
      %max3A_34 = arith.constant 0.000000e+00 : f32
      %max3A_35 = vector.broadcast %max3A_34 : f32 to vector<1x256xf32>
      %max3A_36 = arith.maximumf %add3A_33, %max3A_35 : vector<1x256xf32>
      %slice3A = vector.extract_strided_slice %max3A_36 {offsets = [0, 128], sizes = [1, 128], strides = [1, 1]} : vector<1x256xf32> to vector<1x128xf32>
      %swap3A_37 = arith.constant 0 : index
      %swap3A_38 = arith.constant 0 : index
      %swap3A_39 = vector.load %arg11[%swap3A_37, %swap3A_38] : memref<1x128xf32, #tpu.memory_space<vmem>>, vector<1x128xf32>
      tpu.vector_store %arg11[%swap3A_37, %swap3A_38], %slice3A {strides = array<i32>} : memref<1x128xf32, #tpu.memory_space<vmem>>, vector<1x128xf32>,
      %slice3A_40 = vector.extract_strided_slice %max3A_36 {offsets = [0, 0], sizes = [1, 128], strides = [1, 1]} : vector<1x256xf32> to vector<1x128xf32>
      %get3A_41 = arith.constant 0 : index
      %get3A_42 = arith.constant 0 : index
      %get3A_43 = vector.load %arg7[%get3A_41, %get3A_42] : memref<1000x128xf32, #tpu.memory_space<vmem>>, vector<1000x128xf32>
      %dot_general3A_44 = arith.constant dense<0.000000e+00> : vector<1x1000xf32>
      %dot_general3A_45 = tpu.matmul %slice3A_40, %get3A_43, %dot_general3A_44 {dimension_numbers = #tpu.dot_dimension_numbers<[1], [1], [0], [0], [0, 0, 1, 0], [], []>, transpose_lhs_hint = false} : vector<1x128xf32>, vector<1000x128xf32>, vector<1x1000xf32> -> vector<1x1000xf32>
      %squeeze3A_46 = vector.shape_cast %dot_general3A_45 : vector<1x1000xf32> to vector<1000xf32>
      %swap3A_47 = arith.constant 0 : index
      %swap3A_48 = vector.load %arg10[%swap3A_47] : memref<1000xf32, #tpu.memory_space<vmem>>, vector<1000xf32>
      tpu.vector_store %arg10[%swap3A_47], %squeeze3A_46 {strides = array<i32>} : memref<1000xf32, #tpu.memory_space<vmem>>, vector<1000xf32>,
    } else {
    }
    %get3A = arith.constant 0 : index
    %get3A_2 = arith.constant 0 : index
    %get3A_3 = vector.load %arg11[%get3A, %get3A_2] : memref<1x128xf32, #tpu.memory_space<vmem>>, vector<1x128xf32>
    %get3A_4 = arith.constant 0 : index
    %get3A_5 = arith.constant 0 : index
    %get3A_6 = vector.load %arg8[%get3A_4, %get3A_5] : memref<20480x128xf32, #tpu.memory_space<vmem>>, vector<20480x128xf32>
    %dot_general3A = arith.constant dense<0.000000e+00> : vector<1x20480xf32>
    %dot_general3A_7 = tpu.matmul %get3A_3, %get3A_6, %dot_general3A {dimension_numbers = #tpu.dot_dimension_numbers<[1], [1], [0], [0], [0, 0, 1, 0], [], []>, transpose_lhs_hint = false} : vector<1x128xf32>, vector<20480x128xf32>, vector<1x20480xf32> -> vector<1x20480xf32>
    %squeeze3A = vector.shape_cast %dot_general3A_7 : vector<1x20480xf32> to vector<20480xf32>
    %swap3A = arith.constant 0 : index
    %swap3A_8 = vector.load %arg9[%swap3A] : memref<20480xf32, #tpu.memory_space<vmem>>, vector<20480xf32>
    tpu.vector_store %arg9[%swap3A], %squeeze3A {strides = array<i32>} : memref<20480xf32, #tpu.memory_space<vmem>>, vector<20480xf32>,
    return
  }
  func.func @transform_0(%arg0: i32) -> (i32, i32) {
    %c0_i32 = arith.constant 0 : i32
    %c0_i32_0 = arith.constant 0 : i32
    %c0_i32_1 = arith.constant 0 : i32
    return %c0_i32, %c0_i32_0 : i32, i32
  }
  func.func @transform_1(%arg0: i32) -> (i32, i32) {
    %c0_i32 = arith.constant 0 : i32
    %c0_i32_0 = arith.constant 0 : i32
    %c0_i32_1 = arith.constant 0 : i32
    return %c0_i32, %c0_i32_0 : i32, i32
  }
  func.func @transform_2(%arg0: i32) -> (i32, i32) {
    %c0_i32 = arith.constant 0 : i32
    %c0_i32_0 = arith.constant 0 : i32
    %c0_i32_1 = arith.constant 0 : i32
    return %c0_i32, %c0_i32_0 : i32, i32
  }
  func.func @transform_3(%arg0: i32) -> (i32, i32) {
    %c0_i32 = arith.constant 0 : i32
    %c0_i32_0 = arith.constant 0 : i32
    %c0_i32_1 = arith.constant 0 : i32
    return %c0_i32, %c0_i32_0 : i32, i32
  }
  func.func @transform_4(%arg0: i32) -> (i32, i32) {
    %c0_i32 = arith.constant 0 : i32
    %c0_i32_0 = arith.constant 0 : i32
    %c0_i32_1 = arith.constant 0 : i32
    return %c0_i32, %c0_i32_0 : i32, i32
  }
  func.func @transform_5(%arg0: i32) -> (i32, i32) {
    %c0_i32 = arith.constant 0 : i32
    %c0_i32_0 = arith.constant 0 : i32
    %c0_i32_1 = arith.constant 0 : i32
    return %c0_i32, %c0_i32_0 : i32, i32
  }
  func.func @transform_6(%arg0: i32) -> (i32, i32) {
    %c0_i32 = arith.constant 0 : i32
    %c0_i32_0 = arith.constant 0 : i32
    %c0_i32_1 = arith.constant 0 : i32
    return %c0_i32, %c0_i32_0 : i32, i32
  }
  func.func @transform_7(%arg0: i32) -> (i32, i32) {
    %c0_i32 = arith.constant 0 : i32
    %c0_i32_0 = arith.constant 0 : i32
    return %arg0, %c0_i32 : i32, i32
  }
  func.func @transform_8(%arg0: i32) -> i32 {
    %c0_i32 = arith.constant 0 : i32
    return %arg0 : i32
  }
  func.func @transform_9(%arg0: i32) -> i32 {
    %c0_i32 = arith.constant 0 : i32
    %c0_i32_0 = arith.constant 0 : i32
    return %c0_i32 : i32
  }
}

module attributes {stable_mosaic.version = 14 : i64} {
  func.func @_softmax_body(%arg0: memref<100000xf32, #tpu.memory_space<vmem>>, %arg1: memref<100000xf32, #tpu.memory_space<vmem>>) attributes {dimension_semantics = [], scalar_prefetch = 0 : i64, scratch_operands = 0 : i64, tpu.core_type = #tpu.core_type<tc>} {
    %get3A = arith.constant 0 : index
    %get3A_0 = vector.load %arg0[%get3A] : memref<100000xf32, #tpu.memory_space<vmem>>, vector<100000xf32>
    %reduce_max3A = vector.shape_cast %get3A_0 : vector<100000xf32> to vector<1x100000xf32>
    %reduce_max3A_1 = arith.constant dense<0xFF800000> : vector<1xf32>
    %reduce_max3A_2 = vector.multi_reduction <maximumf>, %reduce_max3A, %reduce_max3A_1 [1] : vector<1x100000xf32> to vector<1xf32>
    %reduce_max3A_3 = vector.shape_cast %reduce_max3A_2 : vector<1xf32> to vector<1x1xf32>
    %reduce_max3A_4 = vector.extract %reduce_max3A_3[0, 0] : f32 from vector<1x1xf32>
    %sub3A = vector.broadcast %reduce_max3A_4 : f32 to vector<100000xf32>
    %sub3A_5 = arith.subf %get3A_0, %sub3A : vector<100000xf32>
    %exp3A = math.exp %sub3A_5 : vector<100000xf32>
    %reduce_sum3A = vector.shape_cast %exp3A : vector<100000xf32> to vector<1x100000xf32>
    %reduce_sum3A_6 = arith.constant dense<0.000000e+00> : vector<1xf32>
    %reduce_sum3A_7 = vector.multi_reduction <add>, %reduce_sum3A, %reduce_sum3A_6 [1] : vector<1x100000xf32> to vector<1xf32>
    %reduce_sum3A_8 = vector.shape_cast %reduce_sum3A_7 : vector<1xf32> to vector<1x1xf32>
    %reduce_sum3A_9 = vector.extract %reduce_sum3A_8[0, 0] : f32 from vector<1x1xf32>
    %div3A = arith.constant 1.000000e+00 : f32
    %div3A_10 = arith.divf %div3A, %reduce_sum3A_9 : f32
    %mul3A = vector.broadcast %div3A_10 : f32 to vector<100000xf32>
    %mul3A_11 = arith.mulf %exp3A, %mul3A : vector<100000xf32>
    %swap3A = arith.constant 0 : index
    %swap3A_12 = vector.load %arg1[%swap3A] : memref<100000xf32, #tpu.memory_space<vmem>>, vector<100000xf32>
    tpu.vector_store %arg1[%swap3A], %mul3A_11 {strides = array<i32>} : memref<100000xf32, #tpu.memory_space<vmem>>, vector<100000xf32>,
    return
  }
}

</mosaic_0001>

<sc_bundles>
// kernel: kernel.5.cloned.1.call-start
scs
__scs_entry_jumppad:
0x0: {  	(pc) =	sbr.rel $0x88, $3  }
0x1: {  	(tag) =	ssettag $0x0;
	lr =	simm.s32 $0x1  }
0x2: {  	[smem:$0x3F97] =	sst lr;
	_ =	strace $0xD0000000  }
0x3: {  	_ = 	snop  }
0x4: {  	_ = 	snop  }
0x5: {  	_ = 	snop  }
0x6: {  	_ = 	snop  }
0x7: {  	_ = 	snop  }
__scs_overlays_trampoline_lowered:
0x8: {  	[smem:$0x3FA6] =	sst s0  }
0x9: {  	[smem:$0x3FA7] =	sst s1  }
0xa: {  	[smem:$0x3FA8] =	sst s2  }
0xb: {  	[smem:$0x3FA9] =	sst s3  }
0xc: {  	[smem:$0x3FAA] =	sst s4  }
0xd: {  	[smem:$0x3FAB] =	sst s5  }
0xe: {  	[smem:$0x3FAC] =	sst s6  }
0xf: {  	[smem:$0x3FAD] =	sst s7  }
0x10: {  	[smem:$0x3FAE] =	sst s8  }
0x11: {  	[smem:$0x3FAF] =	sst s9;
	s0 =	simm.s32 @!p0 $0x0  }
0x12: {  	s1 =	sld [smem:$0x3F95];
	s0 =	simm.s32 @p0 $0x1  }
0x13: {  	[smem:$0x3FB0] =	sst s0;
	s0 =	simm.s32 @!p1 $0x0  }
0x14: {  	s2 =	sld [smem:$0x3F94];
	s0 =	simm.s32 @p1 $0x1  }
0x15: {  	[smem:$0x3FB1] =	sst s0;
	s0 =	simm.s32 @!p2 $0x0  }
0x16: {  	s3 =	sld [smem:$0x3FDB];
	s0 =	simm.s32 @p2 $0x1  }
0x17: {  	s4 =	simm.s32 $0x1BF5;
	[smem:$0x3FB3] =	sst s0  }
0x18: {  	s0 =	sld [smem:$0x3F96];
	_ =	swait.ge [sflag:s4], $0x0  }
0x19: {  	s7 =	sld [smem:$0x3F97]  }
0x1a: {  	s8 =	sadd.s32 $0xFFFFE003, lr  }
0x1b: {  	s9 =	sadd.s32 $0xFFFFFEF7, lr;
	s5 =	simm.s32 $0xFFFFFFFF;
	p2 =	slt.u32 s8, $0xFFFFF086  }
0x1c: {  	p1 =	slt.u32 s9, $0xF7A;
	s5 =	simm.s32 @!p2 $0x0  }
0x1d: {  	s5 =	simm.s32 @p1 $0x1;
	p0 =	seq.s32 s7, s2  }
0x1e: {  	s7 =	smul.u32 @!p0 $0xF7A, s2;
	p2 =	seq.s32 @!p0 s5, $0x0  }
0x1f: {  	s9 =	smul.u32 $0xF7A, s1;
	s8 =	simm.s32 @!p0 $0x1BF5;
	p2 =	por !p2, p0  }
0x20: {  	[sflag:s8] =	ssyncset.s32 @!p0 $0xFFFFF086;
	s6 =	sadd.s32 @!p0 s3, s7;
	s7 =	simm.s32 @!p0 $0x108  }
0x21: {  	s3 =	sadd.s32 s3, s9;
	s6 =	sadd.s32 @!p0 $0x88, s6;
	s7 =	simm.s32 @p2 $0x1082  }
0x22: {  	[simem:s7], [sflag:s8] =	dma.local @!p0 [hbm:s6], $0xF7A  }
0x23: {  	s9 =	sor.u32 $0xD0000000, s2;
	s6 =	simm.s32 $0x108;
	_ =	swait.ge @!p0 [sflag:s8], $0x0  }
0x24: {  	s3 =	sadd.s32 $0x88, s3;
	s6 =	simm.s32 @!p1 $0x1082;
	[sflag:s4] =	ssyncset.s32 $0xFFFFF086  }
0x25: {  	[simem:s6], [sflag:s4] =	dma.local [hbm:s3], $0xF7A  }
0x26: {  	[smem:$0x3F97] =	sst s1;
	(tag) =	ssettag s2;
	_ =	strace s9  }
0x27: {  	s1 =	sld [smem:$0x3FA7]  }
0x28: {  	s2 =	sld [smem:$0x3FA8]  }
0x29: {  	s4 =	sld [smem:$0x3FAA]  }
0x2a: {  	p0 =	seq.s32 s5, $0x0;
	s5 =	sld [smem:$0x3FAB]  }
0x2b: {  	s6 =	sld [smem:$0x3FAC]  }
0x2c: {  	s7 =	sld [smem:$0x3FAD]  }
0x2d: {  	s3 =	simm.s32 $0x108;
	s8 =	sld [smem:$0x3FAE]  }
0x2e: {  	s3 =	simm.s32 @!p0 $0x1082;
	s9 =	sld [smem:$0x3FAF]  }
0x2f: {  	lr =	sadd.s32 s0, s3;
	s0 =	sld [smem:$0x3FA6]  }
0x30: {  	s3 =	sld [smem:$0x3FA9]  }
0x31: {  	[smem:$0x3FB2] =	sst s10  }
0x32: {  	s10 =	sld [smem:$0x3FB0];
	_ =	sdelay $0x3  }
0x33: {  	p0 =	seq.s32 s10, $0x1;
	s10 =	sld [smem:$0x3FB2];
	_ =	sdelay $0x3  }
0x34: {  	[smem:$0x3FB2] =	sst s10  }
0x35: {  	s10 =	sld [smem:$0x3FB1];
	_ =	sdelay $0x3  }
0x36: {  	p1 =	seq.s32 s10, $0x1;
	s10 =	sld [smem:$0x3FB2];
	_ =	sdelay $0x3  }
0x37: {  	[smem:$0x3FB2] =	sst s10  }
0x38: {  	s10 =	sld [smem:$0x3FB3]  }
0x39: {  	_ = 	snop;
	(pc) =	sbr.ind lr, $3  }
0x3a: {  	_ = 	snop  }
0x3b: {  	_ = 	snop  }
0x3c: {  	p2 =	seq.s32 s10, $0x1;
	s10 =	sld [smem:$0x3FB2]  }
0x3d: {  	_ =	shalt  }
0x3e: {  	_ =	shalt  }
0x3f: {  	_ =	shalt  }
0x40: {  	_ =	shalt  }
0x41: {  	_ =	shalt  }
0x42: {  	_ =	shalt  }
0x43: {  	_ =	shalt  }
0x44: {  	_ =	shalt  }
0x45: {  	_ =	shalt  }
0x46: {  	_ =	shalt  }
0x47: {  	_ =	shalt  }
0x48: {  	_ =	shalt  }
0x49: {  	_ =	shalt  }
0x4a: {  	_ =	shalt  }
0x4b: {  	_ =	shalt  }
0x4c: {  	_ =	shalt  }
0x4d: {  	_ =	shalt  }
0x4e: {  	_ =	shalt  }
0x4f: {  	_ =	shalt  }
0x50: {  	_ =	shalt  }
0x51: {  	_ =	shalt  }
0x52: {  	_ =	shalt  }
0x53: {  	_ =	shalt  }
0x54: {  	_ =	shalt  }
0x55: {  	_ =	shalt  }
0x56: {  	_ =	shalt  }
0x57: {  	_ =	shalt  }
0x58: {  	_ =	shalt  }
0x59: {  	_ =	shalt  }
0x5a: {  	_ =	shalt  }
0x5b: {  	_ =	shalt  }
0x5c: {  	_ =	shalt  }
0x5d: {  	_ =	shalt  }
0x5e: {  	_ =	shalt  }
0x5f: {  	_ =	shalt  }
0x60: {  	_ =	shalt  }
0x61: {  	_ =	shalt  }
0x62: {  	_ =	shalt  }
0x63: {  	_ =	shalt  }
0x64: {  	_ =	shalt  }
0x65: {  	_ =	shalt  }
0x66: {  	_ =	shalt  }
0x67: {  	_ =	shalt  }
0x68: {  	_ =	shalt  }
0x69: {  	_ =	shalt  }
0x6a: {  	_ =	shalt  }
0x6b: {  	_ =	shalt  }
0x6c: {  	_ =	shalt  }
0x6d: {  	_ =	shalt  }
0x6e: {  	_ =	shalt  }
0x6f: {  	_ =	shalt  }
0x70: {  	_ =	shalt  }
0x71: {  	_ =	shalt  }
0x72: {  	_ =	shalt  }
0x73: {  	_ =	shalt  }
0x74: {  	_ =	shalt  }
0x75: {  	_ =	shalt  }
0x76: {  	_ =	shalt  }
0x77: {  	_ =	shalt  }
0x78: {  	_ =	shalt  }
0x79: {  	_ =	shalt  }
0x7a: {  	_ =	shalt  }
0x7b: {  	_ =	shalt  }
0x7c: {  	_ =	shalt  }
0x7d: {  	_ =	shalt  }
0x7e: {  	_ =	shalt  }
0x7f: {  	_ =	shalt  }
0x80: {  	_ =	shalt  }
0x81: {  	_ =	shalt  }
0x82: {  	_ =	shalt  }
0x83: {  	_ =	shalt  }
0x84: {  	_ =	shalt  }
0x85: {  	_ =	shalt  }
0x86: {  	_ =	shalt  }
0x87: {  	_ =	shalt  }
.Lfunc_end0:
.L_simem_size_0:
called_computation_lowered:
.L_overlay_start_0:
0x88: {  	s2 =	sld [smem:$0x3FD9]  }
0x89: {  	s3 =	sld [smem:$0x3FFE];
	_ =	sdelay $0x1  }
0x8a: {  	s1 =	srdreg.scid  }
0x8b: {  	s0 =	sand.u32 $0x1, s1  }
0x8c: {  	s17 =	sshll.u32 s0, $0xA;
	s2 =	sadd.s32 s3, s2  }
0x8d: {  	s2 =	sadd.s32 s2, s17  }
0x8e: {  	[smem:$0x3FBE] =	sst s2  }
0x8f: {  	_ = 	snop  }
0x90: {  	s2 =	sld [smem:$0x3FC7]  }
0x91: {  	s18 =	sld [smem:$0x3FC6]  }
0x92: {  	s4 =	sld [smem:$0x3FD0];
	(tm) =	ssettm $0x1  }
0x93: {  	s5 =	sld [smem:$0x3FFB];
	_ =	sdelay $0x3  }
0x94: {  	_ =	strace s5  }
0x95: {  	s5 =	sld [smem:$0x3FFC];
	_ =	sdelay $0x3  }
0x96: {  	_ =	strace s5  }
0x97: {  	s5 =	sld [smem:$0x3FFD];
	_ =	sdelay $0x3  }
0x98: {  	_ =	strace s5  }
0x99: {  	_ =	strace $0x8FFFFFFF  }
0x9a: {  	s19 =	sld [smem:$0x3FDB];
	_ =	sdelay $0x1  }
0x9b: {  	s6 =	simm.s32 $_scs_section_size  }
0x9c: {  	s7 =	simm.s32 $_size__tile_overlayer_lowered;
	s8 =	simm.s32 $_tile_overlayer_lowered  }
0x9d: {  	s22 =	simm.s32 $0x1BFF;
	s21 =	sshll.u32 s8, $0x1;
	s5 =	sadd.s32 s6, s19  }
0x9e: {  	s9 =	simm.s32 $0x0;
	s20 =	sshll.u32 s7, $0x1;
	s7 =	sadd.s32 s21, s5  }
0x9f: {  	[timem:s9], [sflag:s22] =	dma.local [hbm:s7], s20  }
0xa0: {  	_ =	swait.ge [sflag:s22], s20  }
0xa1: {  	s6 =	ssub.s32 $0x0, s20;
	[sflag:s22] =	ssyncset.done $0x0  }
0xa2: {  	[sflag:s22] =	ssyncadd.s32 s6;
	_ =	sdelay $0x1  }
0xa3: {  	s23 =	simm.s32 $0x1B8B  }
0xa4: {  	_ =	swait.ge [sflag:s23], $0x1  }
0xa5: {  	[sflag:s23] =	ssyncset.done $0x0  }
0xa6: {  	s25 =	simm.s32 $0x1B8E;
	s24 =	sld [smem:$0x3FFE];
	[sflag:s23] =	ssyncadd.s32 $0xFFFFFFFF  }
0xa7: {  	s26 =	simm.s32 $execute0_lowered;
	[smem:$0x3FD2] =	sst s25  }
0xa8: {  	s7 =	sshll.u32 s26, $0x1;
	_ =	strace $0x80000046;
	[dreg:$0x1] =	wrdreg $0xFFFFFFFF  }
0xa9: {  	s28 =	simm.s32 $_size_execute0_lowered;
	s5 =	sadd.s32 s5, s7;
	[dreg:$0x0] =	wrdreg $0x0  }
0xaa: {  	s7 =	sshll.u32 s28, $0x1;
	[dreg:$0x2] =	wrdreg s5  }
0xab: {  	[dreg:$0x3] =	wrdreg s7  }
0xac: {  	[dreg:$0x4] =	wrdreg $0xC0  }
0xad: {  	_ =	task [dreg:s9], $0x5FFFF  }
0xae: {  	[dreg:$0x1] =	wrdreg $0xFFFFFFFF  }
0xaf: {  	[dreg:$0x0] =	wrdreg $0x60  }
0xb0: {  	[dreg:$0x2] =	wrdreg s24  }
0xb1: {  	[dreg:$0x3] =	wrdreg s4  }
0xb2: {  	[dreg:$0x4] =	wrdreg s2  }
0xb3: {  	[dreg:$0x5] =	wrdreg s18  }
0xb4: {  	[dreg:$0x6] =	wrdreg $0x9  }
0xb5: {  	_ =	task.clear_ibuf [dreg:s9], $0x7FFFF;
	_ =	strace $0x90000046  }
0xb6: {  	s29 =	simm.s32 $0x9;
	_ =	strace $0x80000048  }
0xb7: {  	_ =	swait.ge [sflag:s29], $0x1  }
0xb8: {  	[sflag:s29] =	ssyncadd.s32 $0xFFFFFFFF  }
0xb9: {  	_ =	strace $0x90000048  }
0xba: {  	_ =	sfence  }
0xbb: {  	s30 =	sld [smem:$0x0];
	_ =	sdelay $0x2  }
0xbc: {  	s31 =	sshll.u32 s1, $0xD;
	s1 =	sshrl.u32 s1, $0x2  }
0xbd: {  	s3 =	sand.u32 $0x4000, s31;
	s1 =	sadd.s32 s1, s30  }
0xbe: {  	s0 =	sor.u32 s3, s0;
	s1 =	sshll.u32 s1, $0x11  }
0xbf: {  	s0 =	sor.u32 s1, s0  }
0xc0: {  	s0 =	sadd.s32 $0x8F2B, s0  }
0xc1: {  	[sflag:s0] =	ssyncadd.remote.s32 $0x1  }
0xc2: {  	_ =	sfence.sel $0xFFFF  }
0xc3: {  	[dreg:$0x0] =	wrdreg $0xFFFFFFFF;
	(pc) =	sbr.abs _section_cstart, $3  }
0xc4: {  	[dreg:$0x1] =	wrdreg $0xFFFFFFFF  }
0xc5: {  	_ =	task.clear_ibuf [dreg:s9], $0x2FFFF;
	_ =	strace $0x9FFFFFFF  }
0xc6: {  	(tm) =	ssettm $0x7FFFFFFF  }
0xc7: {  	_ =	shalt  }
tec
execute0_lowered:
.L_overlay_start_1:
0x0: {  	(tag) =	ssettag $0x1  }
0x1: {  	s0 =	rddreg [dreg:$0x0]  }
0x2: {  	s1 =	rddreg [dreg:$0x1]  }
0x3: {  	s2 =	rddreg [dreg:$0x2];
	s3 =	srdreg.scid  }
0x4: {  	s6 =	stileid.u32;
	s5 =	rddreg [dreg:$0x3]  }
0x5: {  	s13 =	simm.s32 $0x1100;
	s14 =	simm.s32 $0x4;
	s15 =	simm.s32 $0x80  }
0x6: {  	s28 =	simm.s32 $0x1A00;
	s29 =	simm.s32 $0x2700;
	s30 =	simm.s32 $0x1A80  }
0x7: {  	s31 =	simm.s32 $0x2780;
	s12 =	simm.s32 $0x1B80;
	s16 =	simm.s32 $0x2880  }
0x8: {  	s17 =	simm.s32 $0x2900;
	s18 =	simm.s32 $0x2980;
	s19 =	simm.s32 $0x2A00  }
0x9: {  	s20 =	simm.s32 $0x3;
	s21 =	simm.s32 $0x2B00;
	s22 =	simm.s32 $0x0  }
0xa: {  	s4 =	sand.u32 $0x1, s3;
	s6 =	sshll.u32 s6, $0x1;
	s3 =	simm.s32 $0x0  }
0xb: {  	s26 =	sadd.s32 $0x2F3A, s5;
	s6 =	sor.u32 s4, s6;
	[smem:$0x7FF] =	sst s3  }
0xc: {  	s8 =	ssub.s32 $0x2, s4;
	s4 =	sadd.s32 $0x1A00, s0;
	s7 =	smul.u32 $0x186, s6  }
0xd: {  	_ =	strace $0x80000047;
	s10 =	sshrl.u32 s8, $0x1;
	[dreg:$0x9] =	wrdreg s26  }
0xe: {  	p0 =	seq.s32 s6, $0x1F;
	s26 =	simm.s32 $0x2680;
	s6 =	simm.s32 $0x1C80  }
0xf: {  	s8 =	ssub.s32 s8, s10;
	s10 =	simm.s32 $0x5;
	s9 =	sadd.s32 s7, s0  }
0x10: {  	s24 =	sadd.s32 s2, s7;
	s7 =	sadd.s32 s5, s7;
	s2 =	sadd.s32 $0x2F3A, s2  }
.Ltmp0:
0x11: {  	s0 =	sadd.s32 $0x4B3A, s0;
	[dreg:$0x5] =	wrdreg s24;
	(pc) =	sbr.rel .LBB2_1-.Ltmp0, $4  }
0x12: {  	s11 =	smax.u32 s8, $0x1;
	s5 =	simm.s32 $0x1C00;
	[dreg:$0x6] =	wrdreg s7  }
0x13: {  	s8 =	simm.s32 $0x2;
	s25 =	sadd.s32 $0x1C00, s9;
	[dreg:$0x8] =	wrdreg s2  }
0x14: {  	[dreg:$0xa] =	wrdreg s0;
	s2 =	simm.s32 $0x1B00;
	s0 =	simm.s32 $0x2800  }
0x15: {  	s7 =	simm.s32 $0x1D00;
	s9 =	simm.s32 $0x1;
	[dreg:$0x7] =	wrdreg s25  }
.LBB2_7:
0x16: {  	v2 =	vld [tilespmem:s24+$0x400];
	_ =	sdelay $0x4  }
0x17: {  	v0 =	vadd.f32 v0, v1;
	_ =	sdelay $0x1  }
0x18: {  	v63 =	vld [tilespmem:s24+$0x1E00];
	[tilespmem:s23+$0x2B00] =	vst v0  }
0x19: {  	v0 =	vld.idx.msk [tilespmem:v2+s3+$0x0], $0xffff;
	_ =	sdelay $0x4  }
0x1a: {  	v0 =	vadd.f32 v63, v0;
	_ =	sdelay $0x1  }
0x1b: {  	s25 =	rddreg [dreg:$0xa];
	[tilespmem:s24+$0x2B00] =	vst v0  }
0x1c: {  	[hbm4b:s25+s3] =	stream.linear.scatter [tilespmem:s21], [sflag:$0x5], $0xCD0, $0x38;
	[tilespmem:$0x3800] =	vst v63  }
0x1d: {  	_ =	swait.ge [sflag:s10], $0xCD0  }
0x1e: {  	[sflag:s10] =	ssyncset.done $0x0  }
0x1f: {  	[sflag:s10] =	ssyncadd.s32 $0xFFFFF330  }
.LBB2_8:
0x20: {  	s22 =	sadd.s32 $0x1, s22  }
0x21: {  	p1 =	sne.s32 s22, s11  }
.Ltmp1:
0x22: {  	_ = 	snop;
	(pc) =	sbr.rel @!p1 .LBB2_9-.Ltmp1, $1  }
0x23: {  	_ =	sdelay $0x3  }
.LBB2_1:
.Ltmp2:
0x24: {  	(pc) =	sbr.rel @!p0 .LBB2_2-.Ltmp2, $3  }
0x25: {  	_ =	sdelay $0x1  }
0x26: {  	[tilespmem:s3], [sflag:$0x2] =	stream.linear.gather [hbm4b:s4+s3], $0x400, $0x38;
	[tilespmem:$0x3800] =	vst v63  }
0x27: {  	s23 =	simm.s32 $0x0  }
0x28: {  	s24 =	rddreg [dreg:$0x8];
	s25 =	simm.s32 $0x400  }
0x29: {  	[tilespmem:s25], [sflag:$0x3] =	stream.linear.gather [hbm4b:s24+s23], $0xCD0, $0x38;
	[tilespmem:$0x3800] =	vst v63  }
0x2a: {  	s25 =	rddreg [dreg:$0x9]  }
0x2b: {  	[tilespmem:s13], [sflag:$0x4] =	stream.linear.gather [hbm4b:s25+s23], $0xCD0, $0x38;
	[tilespmem:$0x3800] =	vst v63  }
0x2c: {  	_ =	swait.ge [sflag:s14], $0xCD0  }
0x2d: {  	[sflag:s14] =	ssyncset.done $0x0  }
0x2e: {  	s25 =	simm.s32 $0x1E00;
	[sflag:s14] =	ssyncadd.s32 $0xFFFFF330  }
0x2f: {  	[tilespmem:s25], [sflag:$0x1] =	stream.indirect.gather [hbm4b:s1+s15], $0x1, s13, s15, $0xb8;
	[tilespmem:$0x3800] =	vst v63  }
0x30: {  	s24 =	simm.s32 $0x1180;
	s25 =	simm.s32 $0x1E80  }
0x31: {  	[tilespmem:s25], [sflag:$0x1] =	stream.indirect.gather [hbm4b:s1+s15], $0x1, s24, s15, $0xb8;
	[tilespmem:$0x3800] =	vst v63  }
0x32: {  	s24 =	simm.s32 $0x1200;
	s25 =	simm.s32 $0x1F00  }
0x33: {  	[tilespmem:s25], [sflag:$0x1] =	stream.indirect.gather [hbm4b:s1+s15], $0x1, s24, s15, $0xb8;
	[tilespmem:$0x3800] =	vst v63  }
0x34: {  	s24 =	simm.s32 $0x1280;
	s25 =	simm.s32 $0x1F80  }
0x35: {  	[tilespmem:s25], [sflag:$0x1] =	stream.indirect.gather [hbm4b:s1+s15], $0x1, s24, s15, $0xb8;
	[tilespmem:$0x3800] =	vst v63  }
0x36: {  	s24 =	simm.s32 $0x1300;
	s25 =	simm.s32 $0x2000  }
0x37: {  	[tilespmem:s25], [sflag:$0x1] =	stream.indirect.gather [hbm4b:s1+s15], $0x1, s24, s15, $0xb8;
	[tilespmem:$0x3800] =	vst v63  }
0x38: {  	s24 =	simm.s32 $0x1380;
	s25 =	simm.s32 $0x2080  }
0x39: {  	[tilespmem:s25], [sflag:$0x1] =	stream.indirect.gather [hbm4b:s1+s15], $0x1, s24, s15, $0xb8;
	[tilespmem:$0x3800] =	vst v63  }
0x3a: {  	s24 =	simm.s32 $0x1400;
	s25 =	simm.s32 $0x2100  }
0x3b: {  	[tilespmem:s25], [sflag:$0x1] =	stream.indirect.gather [hbm4b:s1+s15], $0x1, s24, s15, $0xb8;
	[tilespmem:$0x3800] =	vst v63  }
0x3c: {  	s24 =	simm.s32 $0x1480;
	s25 =	simm.s32 $0x2180  }
0x3d: {  	[tilespmem:s25], [sflag:$0x1] =	stream.indirect.gather [hbm4b:s1+s15], $0x1, s24, s15, $0xb8;
	[tilespmem:$0x3800] =	vst v63  }
0x3e: {  	s24 =	simm.s32 $0x1500;
	s25 =	simm.s32 $0x2200  }
0x3f: {  	[tilespmem:s25], [sflag:$0x1] =	stream.indirect.gather [hbm4b:s1+s15], $0x1, s24, s15, $0xb8;
	[tilespmem:$0x3800] =	vst v63  }
0x40: {  	s24 =	simm.s32 $0x1580;
	s25 =	simm.s32 $0x2280  }
0x41: {  	[tilespmem:s25], [sflag:$0x1] =	stream.indirect.gather [hbm4b:s1+s15], $0x1, s24, s15, $0xb8;
	[tilespmem:$0x3800] =	vst v63  }
0x42: {  	s24 =	simm.s32 $0x1600;
	s25 =	simm.s32 $0x2300  }
0x43: {  	[tilespmem:s25], [sflag:$0x1] =	stream.indirect.gather [hbm4b:s1+s15], $0x1, s24, s15, $0xb8;
	[tilespmem:$0x3800] =	vst v63  }
0x44: {  	s24 =	simm.s32 $0x1680;
	s25 =	simm.s32 $0x2380  }
0x45: {  	[tilespmem:s25], [sflag:$0x1] =	stream.indirect.gather [hbm4b:s1+s15], $0x1, s24, s15, $0xb8;
	[tilespmem:$0x3800] =	vst v63  }
0x46: {  	s24 =	simm.s32 $0x1700;
	s25 =	simm.s32 $0x2400  }
0x47: {  	[tilespmem:s25], [sflag:$0x1] =	stream.indirect.gather [hbm4b:s1+s15], $0x1, s24, s15, $0xb8;
	[tilespmem:$0x3800] =	vst v63  }
0x48: {  	s24 =	simm.s32 $0x1780;
	s25 =	simm.s32 $0x2480  }
0x49: {  	[tilespmem:s25], [sflag:$0x1] =	stream.indirect.gather [hbm4b:s1+s15], $0x1, s24, s15, $0xb8;
	[tilespmem:$0x3800] =	vst v63  }
0x4a: {  	s24 =	simm.s32 $0x1800;
	s25 =	simm.s32 $0x2500  }
0x4b: {  	[tilespmem:s25], [sflag:$0x1] =	stream.indirect.gather [hbm4b:s1+s15], $0x1, s24, s15, $0xb8;
	[tilespmem:$0x3800] =	vst v63  }
0x4c: {  	s24 =	simm.s32 $0x1880;
	s25 =	simm.s32 $0x2580  }
0x4d: {  	[tilespmem:s25], [sflag:$0x1] =	stream.indirect.gather [hbm4b:s1+s15], $0x1, s24, s15, $0xb8;
	[tilespmem:$0x3800] =	vst v63  }
0x4e: {  	s24 =	simm.s32 $0x1900;
	s25 =	simm.s32 $0x2600  }
0x4f: {  	[tilespmem:s25], [sflag:$0x1] =	stream.indirect.gather [hbm4b:s1+s15], $0x1, s24, s15, $0xb8;
	[tilespmem:$0x3800] =	vst v63  }
0x50: {  	s25 =	simm.s32 $0x1980  }
0x51: {  	[tilespmem:s26], [sflag:$0x1] =	stream.indirect.gather [hbm4b:s1+s15], $0x1, s25, s15, $0xb8;
	[tilespmem:$0x3800] =	vst v63  }
0x52: {  	_ = 	snop  }
0x53: {  	[tilespmem:s29], [sflag:$0x1] =	stream.indirect.gather [hbm4b:s1+s15], $0x1, s28, s15, $0xb8;
	[tilespmem:$0x3800] =	vst v63  }
0x54: {  	_ = 	snop  }
0x55: {  	[tilespmem:s31], [sflag:$0x1] =	stream.indirect.gather [hbm4b:s1+s15], $0x1, s30, s15, $0xb8;
	[tilespmem:$0x3800] =	vst v63  }
0x56: {  	_ = 	snop  }
0x57: {  	[tilespmem:s0], [sflag:$0x1] =	stream.indirect.gather [hbm4b:s1+s15], $0x1, s2, s15, $0xb8;
	[tilespmem:$0x3800] =	vst v63  }
0x58: {  	_ = 	snop  }
0x59: {  	[tilespmem:s16], [sflag:$0x1] =	stream.indirect.gather [hbm4b:s1+s15], $0x1, s12, s15, $0xb8;
	[tilespmem:$0x3800] =	vst v63  }
0x5a: {  	_ = 	snop  }
0x5b: {  	[tilespmem:s17], [sflag:$0x1] =	stream.indirect.gather [hbm4b:s1+s15], $0x1, s5, s15, $0xb8;
	[tilespmem:$0x3800] =	vst v63  }
0x5c: {  	_ = 	snop  }
0x5d: {  	[tilespmem:s18], [sflag:$0x1] =	stream.indirect.gather [hbm4b:s1+s15], $0x1, s6, s15, $0xb8;
	[tilespmem:$0x3800] =	vst v63  }
0x5e: {  	_ = 	snop  }
0x5f: {  	[tilespmem:s19], [sflag:$0x1] =	stream.indirect.gather [hbm4b:s1+s15], $0x1, s7, s15, $0xb8;
	[tilespmem:$0x3800] =	vst v63  }
0x60: {  	s23 =	simm.s32 $0x50;
	s24 =	simm.s32 $0x1D80;
	s25 =	simm.s32 $0x2A80  }
0x61: {  	[tilespmem:s25], [sflag:$0x1] =	stream.indirect.gather [hbm4b:s1+s23], $0x1, s24, s23, $0xb8;
	[tilespmem:$0x3800] =	vst v63  }
0x62: {  	_ =	swait.ge [sflag:s8], $0x400  }
0x63: {  	[sflag:s8] =	ssyncset.done $0x0  }
0x64: {  	[sflag:s8] =	ssyncadd.s32 $0xFFFFFC00  }
0x65: {  	_ =	swait.ge [sflag:s20], $0xCD0  }
0x66: {  	[sflag:s20] =	ssyncset.done $0x0  }
0x67: {  	[sflag:s20] =	ssyncadd.s32 $0xFFFFF330  }
0x68: {  	_ =	swait.ge [sflag:s9], $0x80  }
0x69: {  	[sflag:s9] =	ssyncset.done $0x0  }
0x6a: {  	[sflag:s9] =	ssyncadd.s32 $0xFFFFFF80  }
0x6b: {  	_ =	swait.ge [sflag:s9], $0x80  }
0x6c: {  	[sflag:s9] =	ssyncset.done $0x0  }
0x6d: {  	[sflag:s9] =	ssyncadd.s32 $0xFFFFFF80  }
0x6e: {  	_ =	swait.ge [sflag:s9], $0x80  }
0x6f: {  	[sflag:s9] =	ssyncset.done $0x0  }
0x70: {  	[sflag:s9] =	ssyncadd.s32 $0xFFFFFF80  }
0x71: {  	_ =	swait.ge [sflag:s9], $0x80  }
0x72: {  	[sflag:s9] =	ssyncset.done $0x0  }
0x73: {  	[sflag:s9] =	ssyncadd.s32 $0xFFFFFF80  }
0x74: {  	_ =	swait.ge [sflag:s9], $0x80  }
0x75: {  	[sflag:s9] =	ssyncset.done $0x0  }
0x76: {  	[sflag:s9] =	ssyncadd.s32 $0xFFFFFF80  }
0x77: {  	_ =	swait.ge [sflag:s9], $0x80  }
0x78: {  	[sflag:s9] =	ssyncset.done $0x0  }
0x79: {  	[sflag:s9] =	ssyncadd.s32 $0xFFFFFF80  }
0x7a: {  	_ =	swait.ge [sflag:s9], $0x80  }
0x7b: {  	[sflag:s9] =	ssyncset.done $0x0  }
0x7c: {  	[sflag:s9] =	ssyncadd.s32 $0xFFFFFF80  }
0x7d: {  	_ =	swait.ge [sflag:s9], $0x80  }
0x7e: {  	[sflag:s9] =	ssyncset.done $0x0  }
0x7f: {  	[sflag:s9] =	ssyncadd.s32 $0xFFFFFF80  }
0x80: {  	_ =	swait.ge [sflag:s9], $0x80  }
0x81: {  	[sflag:s9] =	ssyncset.done $0x0  }
0x82: {  	[sflag:s9] =	ssyncadd.s32 $0xFFFFFF80  }
0x83: {  	_ =	swait.ge [sflag:s9], $0x80  }
0x84: {  	[sflag:s9] =	ssyncset.done $0x0  }
0x85: {  	[sflag:s9] =	ssyncadd.s32 $0xFFFFFF80  }
0x86: {  	_ =	swait.ge [sflag:s9], $0x80  }
0x87: {  	[sflag:s9] =	ssyncset.done $0x0  }
0x88: {  	[sflag:s9] =	ssyncadd.s32 $0xFFFFFF80  }
0x89: {  	_ =	swait.ge [sflag:s9], $0x80  }
0x8a: {  	[sflag:s9] =	ssyncset.done $0x0  }
0x8b: {  	[sflag:s9] =	ssyncadd.s32 $0xFFFFFF80  }
0x8c: {  	_ =	swait.ge [sflag:s9], $0x80  }
0x8d: {  	[sflag:s9] =	ssyncset.done $0x0  }
0x8e: {  	[sflag:s9] =	ssyncadd.s32 $0xFFFFFF80  }
0x8f: {  	_ =	swait.ge [sflag:s9], $0x80  }
0x90: {  	[sflag:s9] =	ssyncset.done $0x0  }
0x91: {  	[sflag:s9] =	ssyncadd.s32 $0xFFFFFF80  }
0x92: {  	_ =	swait.ge [sflag:s9], $0x80  }
0x93: {  	[sflag:s9] =	ssyncset.done $0x0  }
0x94: {  	[sflag:s9] =	ssyncadd.s32 $0xFFFFFF80  }
0x95: {  	_ =	swait.ge [sflag:s9], $0x80  }
0x96: {  	[sflag:s9] =	ssyncset.done $0x0  }
0x97: {  	[sflag:s9] =	ssyncadd.s32 $0xFFFFFF80  }
0x98: {  	_ =	swait.ge [sflag:s9], $0x80  }
0x99: {  	[sflag:s9] =	ssyncset.done $0x0  }
0x9a: {  	[sflag:s9] =	ssyncadd.s32 $0xFFFFFF80  }
0x9b: {  	_ =	swait.ge [sflag:s9], $0x80  }
0x9c: {  	[sflag:s9] =	ssyncset.done $0x0  }
0x9d: {  	[sflag:s9] =	ssyncadd.s32 $0xFFFFFF80  }
0x9e: {  	_ =	swait.ge [sflag:s9], $0x80  }
0x9f: {  	[sflag:s9] =	ssyncset.done $0x0  }
0xa0: {  	[sflag:s9] =	ssyncadd.s32 $0xFFFFFF80  }
0xa1: {  	_ =	swait.ge [sflag:s9], $0x80  }
0xa2: {  	[sflag:s9] =	ssyncset.done $0x0  }
0xa3: {  	[sflag:s9] =	ssyncadd.s32 $0xFFFFFF80  }
0xa4: {  	_ =	swait.ge [sflag:s9], $0x80  }
0xa5: {  	[sflag:s9] =	ssyncset.done $0x0  }
0xa6: {  	[sflag:s9] =	ssyncadd.s32 $0xFFFFFF80  }
0xa7: {  	_ =	swait.ge [sflag:s9], $0x80  }
0xa8: {  	[sflag:s9] =	ssyncset.done $0x0  }
0xa9: {  	[sflag:s9] =	ssyncadd.s32 $0xFFFFFF80  }
0xaa: {  	_ =	swait.ge [sflag:s9], $0x80  }
0xab: {  	[sflag:s9] =	ssyncset.done $0x0  }
0xac: {  	[sflag:s9] =	ssyncadd.s32 $0xFFFFFF80  }
0xad: {  	_ =	swait.ge [sflag:s9], $0x80  }
0xae: {  	[sflag:s9] =	ssyncset.done $0x0  }
0xaf: {  	[sflag:s9] =	ssyncadd.s32 $0xFFFFFF80  }
0xb0: {  	_ =	swait.ge [sflag:s9], $0x80  }
0xb1: {  	[sflag:s9] =	ssyncset.done $0x0  }
0xb2: {  	[sflag:s9] =	ssyncadd.s32 $0xFFFFFF80  }
0xb3: {  	_ =	swait.ge [sflag:s9], $0x50  }
0xb4: {  	[sflag:s9] =	ssyncset.done $0x0  }
0xb5: {  	s23 =	simm.s32 $0x0;
	[sflag:s9] =	ssyncadd.s32 $0xFFFFFFB0  }
0xb6: {  	v1 =	vld [tilespmem:s23+$0x400];
	_ =	sdelay $0x6  }
0xb7: {  	v0 =	vld [tilespmem:s23+$0x1E00]  }
0xb8: {  	s24 =	simm.s32 $0x10;
	s25 =	simm.s32 $0x80;
	v1 =	vld.idx.msk [tilespmem:v1+s3+$0x0], $0xffff  }
.LBB2_6:
0xb9: {  	p1 =	sne.s32 s25, $0x3300;
	v2 =	vld [tilespmem:s24+$0x400];
	_ =	sdelay $0x3  }
.Ltmp3:
0xba: {  	(pc) =	sbr.rel @p1 .LBB2_6-.Ltmp3, $3  }
0xbb: {  	v1 =	vadd.f32 v0, v1;
	_ =	sdelay $0x1  }
0xbc: {  	v0 =	vld [tilespmem:s24+$0x1E00];
	[tilespmem:s23+$0x2B00] =	vst v1;
	s23 =	smov.u32 s24  }
0xbd: {  	s24 =	sshra.s32 s25, $0x2;
	s25 =	sadd.s32 $0x40, s25;
	v1 =	vld.idx.msk [tilespmem:v2+s3+$0x0], $0xffff  }
.Ltmp4:
0xbe: {  	_ = 	snop;
	(pc) =	sbr.rel .LBB2_7-.Ltmp4, $1  }
0xbf: {  	_ =	sdelay $0x3  }
.LBB2_2:
0xc0: {  	s24 =	rddreg [dreg:$0x5];
	s25 =	simm.s32 $0x400  }
0xc1: {  	[tilespmem:s25], [sflag:$0x3] =	stream.linear.gather [hbm4b:s24+s23], $0xC30, $0x38;
	[tilespmem:$0x3800] =	vst v63  }
0xc2: {  	s25 =	rddreg [dreg:$0x6]  }
0xc3: {  	[tilespmem:s13], [sflag:$0x4] =	stream.linear.gather [hbm4b:s25+s23], $0xC30, $0x38;
	[tilespmem:$0x3800] =	vst v63  }
0xc4: {  	_ =	swait.ge [sflag:s14], $0xC30  }
0xc5: {  	[sflag:s14] =	ssyncset.done $0x0  }
0xc6: {  	s25 =	simm.s32 $0x1E00;
	[sflag:s14] =	ssyncadd.s32 $0xFFFFF3D0  }
0xc7: {  	[tilespmem:s25], [sflag:$0x1] =	stream.indirect.gather [hbm4b:s1+s15], $0x1, s13, s15, $0xb8;
	[tilespmem:$0x3800] =	vst v63  }
0xc8: {  	s24 =	simm.s32 $0x1180;
	s25 =	simm.s32 $0x1E80  }
0xc9: {  	[tilespmem:s25], [sflag:$0x1] =	stream.indirect.gather [hbm4b:s1+s15], $0x1, s24, s15, $0xb8;
	[tilespmem:$0x3800] =	vst v63  }
0xca: {  	s24 =	simm.s32 $0x1200;
	s25 =	simm.s32 $0x1F00  }
0xcb: {  	[tilespmem:s25], [sflag:$0x1] =	stream.indirect.gather [hbm4b:s1+s15], $0x1, s24, s15, $0xb8;
	[tilespmem:$0x3800] =	vst v63  }
0xcc: {  	s24 =	simm.s32 $0x1280;
	s25 =	simm.s32 $0x1F80  }
0xcd: {  	[tilespmem:s25], [sflag:$0x1] =	stream.indirect.gather [hbm4b:s1+s15], $0x1, s24, s15, $0xb8;
	[tilespmem:$0x3800] =	vst v63  }
0xce: {  	s24 =	simm.s32 $0x1300;
	s25 =	simm.s32 $0x2000  }
0xcf: {  	[tilespmem:s25], [sflag:$0x1] =	stream.indirect.gather [hbm4b:s1+s15], $0x1, s24, s15, $0xb8;
	[tilespmem:$0x3800] =	vst v63  }
0xd0: {  	s24 =	simm.s32 $0x1380;
	s25 =	simm.s32 $0x2080  }
0xd1: {  	[tilespmem:s25], [sflag:$0x1] =	stream.indirect.gather [hbm4b:s1+s15], $0x1, s24, s15, $0xb8;
	[tilespmem:$0x3800] =	vst v63  }
0xd2: {  	s24 =	simm.s32 $0x1400;
	s25 =	simm.s32 $0x2100  }
0xd3: {  	[tilespmem:s25], [sflag:$0x1] =	stream.indirect.gather [hbm4b:s1+s15], $0x1, s24, s15, $0xb8;
	[tilespmem:$0x3800] =	vst v63  }
0xd4: {  	s24 =	simm.s32 $0x1480;
	s25 =	simm.s32 $0x2180  }
0xd5: {  	[tilespmem:s25], [sflag:$0x1] =	stream.indirect.gather [hbm4b:s1+s15], $0x1, s24, s15, $0xb8;
	[tilespmem:$0x3800] =	vst v63  }
0xd6: {  	s24 =	simm.s32 $0x1500;
	s25 =	simm.s32 $0x2200  }
0xd7: {  	[tilespmem:s25], [sflag:$0x1] =	stream.indirect.gather [hbm4b:s1+s15], $0x1, s24, s15, $0xb8;
	[tilespmem:$0x3800] =	vst v63  }
0xd8: {  	s24 =	simm.s32 $0x1580;
	s25 =	simm.s32 $0x2280  }
0xd9: {  	[tilespmem:s25], [sflag:$0x1] =	stream.indirect.gather [hbm4b:s1+s15], $0x1, s24, s15, $0xb8;
	[tilespmem:$0x3800] =	vst v63  }
0xda: {  	s24 =	simm.s32 $0x1600;
	s25 =	simm.s32 $0x2300  }
0xdb: {  	[tilespmem:s25], [sflag:$0x1] =	stream.indirect.gather [hbm4b:s1+s15], $0x1, s24, s15, $0xb8;
	[tilespmem:$0x3800] =	vst v63  }
0xdc: {  	s24 =	simm.s32 $0x1680;
	s25 =	simm.s32 $0x2380  }
0xdd: {  	[tilespmem:s25], [sflag:$0x1] =	stream.indirect.gather [hbm4b:s1+s15], $0x1, s24, s15, $0xb8;
	[tilespmem:$0x3800] =	vst v63  }
0xde: {  	s24 =	simm.s32 $0x1700;
	s25 =	simm.s32 $0x2400  }
0xdf: {  	[tilespmem:s25], [sflag:$0x1] =	stream.indirect.gather [hbm4b:s1+s15], $0x1, s24, s15, $0xb8;
	[tilespmem:$0x3800] =	vst v63  }
0xe0: {  	s24 =	simm.s32 $0x1780;
	s25 =	simm.s32 $0x2480  }
0xe1: {  	[tilespmem:s25], [sflag:$0x1] =	stream.indirect.gather [hbm4b:s1+s15], $0x1, s24, s15, $0xb8;
	[tilespmem:$0x3800] =	vst v63  }
0xe2: {  	s24 =	simm.s32 $0x1800;
	s25 =	simm.s32 $0x2500  }
0xe3: {  	[tilespmem:s25], [sflag:$0x1] =	stream.indirect.gather [hbm4b:s1+s15], $0x1, s24, s15, $0xb8;
	[tilespmem:$0x3800] =	vst v63  }
0xe4: {  	s24 =	simm.s32 $0x1880;
	s25 =	simm.s32 $0x2580  }
0xe5: {  	[tilespmem:s25], [sflag:$0x1] =	stream.indirect.gather [hbm4b:s1+s15], $0x1, s24, s15, $0xb8;
	[tilespmem:$0x3800] =	vst v63  }
0xe6: {  	s24 =	simm.s32 $0x1900;
	s25 =	simm.s32 $0x2600  }
0xe7: {  	[tilespmem:s25], [sflag:$0x1] =	stream.indirect.gather [hbm4b:s1+s15], $0x1, s24, s15, $0xb8;
	[tilespmem:$0x3800] =	vst v63  }
0xe8: {  	s24 =	simm.s32 $0x1980  }
0xe9: {  	[tilespmem:s26], [sflag:$0x1] =	stream.indirect.gather [hbm4b:s1+s15], $0x1, s24, s15, $0xb8;
	[tilespmem:$0x3800] =	vst v63  }
0xea: {  	_ = 	snop  }
0xeb: {  	[tilespmem:s29], [sflag:$0x1] =	stream.indirect.gather [hbm4b:s1+s15], $0x1, s28, s15, $0xb8;
	[tilespmem:$0x3800] =	vst v63  }
0xec: {  	_ = 	snop  }
0xed: {  	[tilespmem:s31], [sflag:$0x1] =	stream.indirect.gather [hbm4b:s1+s15], $0x1, s30, s15, $0xb8;
	[tilespmem:$0x3800] =	vst v63  }
0xee: {  	_ = 	snop  }
0xef: {  	[tilespmem:s0], [sflag:$0x1] =	stream.indirect.gather [hbm4b:s1+s15], $0x1, s2, s15, $0xb8;
	[tilespmem:$0x3800] =	vst v63  }
0xf0: {  	_ = 	snop  }
0xf1: {  	[tilespmem:s16], [sflag:$0x1] =	stream.indirect.gather [hbm4b:s1+s15], $0x1, s12, s15, $0xb8;
	[tilespmem:$0x3800] =	vst v63  }
0xf2: {  	_ = 	snop  }
0xf3: {  	[tilespmem:s17], [sflag:$0x1] =	stream.indirect.gather [hbm4b:s1+s15], $0x1, s5, s15, $0xb8;
	[tilespmem:$0x3800] =	vst v63  }
0xf4: {  	_ = 	snop  }
0xf5: {  	[tilespmem:s18], [sflag:$0x1] =	stream.indirect.gather [hbm4b:s1+s15], $0x1, s6, s15, $0xb8;
	[tilespmem:$0x3800] =	vst v63  }
0xf6: {  	s25 =	simm.s32 $0x30  }
0xf7: {  	[tilespmem:s19], [sflag:$0x1] =	stream.indirect.gather [hbm4b:s1+s25], $0x1, s7, s25, $0xb8;
	[tilespmem:$0x3800] =	vst v63  }
0xf8: {  	_ =	swait.ge [sflag:s8], $0x400  }
0xf9: {  	[sflag:s8] =	ssyncset.done $0x0  }
0xfa: {  	[sflag:s8] =	ssyncadd.s32 $0xFFFFFC00  }
0xfb: {  	_ =	swait.ge [sflag:s20], $0xC30  }
0xfc: {  	[sflag:s20] =	ssyncset.done $0x0  }
0xfd: {  	[sflag:s20] =	ssyncadd.s32 $0xFFFFF3D0  }
0xfe: {  	_ =	swait.ge [sflag:s9], $0x80  }
0xff: {  	[sflag:s9] =	ssyncset.done $0x0  }
0x100: {  	[sflag:s9] =	ssyncadd.s32 $0xFFFFFF80  }
0x101: {  	_ =	swait.ge [sflag:s9], $0x80  }
0x102: {  	[sflag:s9] =	ssyncset.done $0x0  }
0x103: {  	[sflag:s9] =	ssyncadd.s32 $0xFFFFFF80  }
0x104: {  	_ =	swait.ge [sflag:s9], $0x80  }
0x105: {  	[sflag:s9] =	ssyncset.done $0x0  }
0x106: {  	[sflag:s9] =	ssyncadd.s32 $0xFFFFFF80  }
0x107: {  	_ =	swait.ge [sflag:s9], $0x80  }
0x108: {  	[sflag:s9] =	ssyncset.done $0x0  }
0x109: {  	[sflag:s9] =	ssyncadd.s32 $0xFFFFFF80  }
0x10a: {  	_ =	swait.ge [sflag:s9], $0x80  }
0x10b: {  	[sflag:s9] =	ssyncset.done $0x0  }
0x10c: {  	[sflag:s9] =	ssyncadd.s32 $0xFFFFFF80  }
0x10d: {  	_ =	swait.ge [sflag:s9], $0x80  }
0x10e: {  	[sflag:s9] =	ssyncset.done $0x0  }
0x10f: {  	[sflag:s9] =	ssyncadd.s32 $0xFFFFFF80  }
0x110: {  	_ =	swait.ge [sflag:s9], $0x80  }
0x111: {  	[sflag:s9] =	ssyncset.done $0x0  }
0x112: {  	[sflag:s9] =	ssyncadd.s32 $0xFFFFFF80  }
0x113: {  	_ =	swait.ge [sflag:s9], $0x80  }
0x114: {  	[sflag:s9] =	ssyncset.done $0x0  }
0x115: {  	[sflag:s9] =	ssyncadd.s32 $0xFFFFFF80  }
0x116: {  	_ =	swait.ge [sflag:s9], $0x80  }
0x117: {  	[sflag:s9] =	ssyncset.done $0x0  }
0x118: {  	[sflag:s9] =	ssyncadd.s32 $0xFFFFFF80  }
0x119: {  	_ =	swait.ge [sflag:s9], $0x80  }
0x11a: {  	[sflag:s9] =	ssyncset.done $0x0  }
0x11b: {  	[sflag:s9] =	ssyncadd.s32 $0xFFFFFF80  }
0x11c: {  	_ =	swait.ge [sflag:s9], $0x80  }
0x11d: {  	[sflag:s9] =	ssyncset.done $0x0  }
0x11e: {  	[sflag:s9] =	ssyncadd.s32 $0xFFFFFF80  }
0x11f: {  	_ =	swait.ge [sflag:s9], $0x80  }
0x120: {  	[sflag:s9] =	ssyncset.done $0x0  }
0x121: {  	[sflag:s9] =	ssyncadd.s32 $0xFFFFFF80  }
0x122: {  	_ =	swait.ge [sflag:s9], $0x80  }
0x123: {  	[sflag:s9] =	ssyncset.done $0x0  }
0x124: {  	[sflag:s9] =	ssyncadd.s32 $0xFFFFFF80  }
0x125: {  	_ =	swait.ge [sflag:s9], $0x80  }
0x126: {  	[sflag:s9] =	ssyncset.done $0x0  }
0x127: {  	[sflag:s9] =	ssyncadd.s32 $0xFFFFFF80  }
0x128: {  	_ =	swait.ge [sflag:s9], $0x80  }
0x129: {  	[sflag:s9] =	ssyncset.done $0x0  }
0x12a: {  	[sflag:s9] =	ssyncadd.s32 $0xFFFFFF80  }
0x12b: {  	_ =	swait.ge [sflag:s9], $0x80  }
0x12c: {  	[sflag:s9] =	ssyncset.done $0x0  }
0x12d: {  	[sflag:s9] =	ssyncadd.s32 $0xFFFFFF80  }
0x12e: {  	_ =	swait.ge [sflag:s9], $0x80  }
0x12f: {  	[sflag:s9] =	ssyncset.done $0x0  }
0x130: {  	[sflag:s9] =	ssyncadd.s32 $0xFFFFFF80  }
0x131: {  	_ =	swait.ge [sflag:s9], $0x80  }
0x132: {  	[sflag:s9] =	ssyncset.done $0x0  }
0x133: {  	[sflag:s9] =	ssyncadd.s32 $0xFFFFFF80  }
0x134: {  	_ =	swait.ge [sflag:s9], $0x80  }
0x135: {  	[sflag:s9] =	ssyncset.done $0x0  }
0x136: {  	[sflag:s9] =	ssyncadd.s32 $0xFFFFFF80  }
0x137: {  	_ =	swait.ge [sflag:s9], $0x80  }
0x138: {  	[sflag:s9] =	ssyncset.done $0x0  }
0x139: {  	[sflag:s9] =	ssyncadd.s32 $0xFFFFFF80  }
0x13a: {  	_ =	swait.ge [sflag:s9], $0x80  }
0x13b: {  	[sflag:s9] =	ssyncset.done $0x0  }
0x13c: {  	[sflag:s9] =	ssyncadd.s32 $0xFFFFFF80  }
0x13d: {  	_ =	swait.ge [sflag:s9], $0x80  }
0x13e: {  	[sflag:s9] =	ssyncset.done $0x0  }
0x13f: {  	[sflag:s9] =	ssyncadd.s32 $0xFFFFFF80  }
0x140: {  	_ =	swait.ge [sflag:s9], $0x80  }
0x141: {  	[sflag:s9] =	ssyncset.done $0x0  }
0x142: {  	[sflag:s9] =	ssyncadd.s32 $0xFFFFFF80  }
0x143: {  	_ =	swait.ge [sflag:s9], $0x80  }
0x144: {  	[sflag:s9] =	ssyncset.done $0x0  }
0x145: {  	[sflag:s9] =	ssyncadd.s32 $0xFFFFFF80  }
0x146: {  	_ =	swait.ge [sflag:s9], $0x30  }
0x147: {  	[sflag:s9] =	ssyncset.done $0x0  }
0x148: {  	s23 =	simm.s32 $0x0;
	[sflag:s9] =	ssyncadd.s32 $0xFFFFFFD0  }
0x149: {  	v1 =	vld [tilespmem:s23+$0x400];
	_ =	sdelay $0x6  }
0x14a: {  	v0 =	vld [tilespmem:s23+$0x1E00]  }
0x14b: {  	s24 =	simm.s32 $0x10;
	s25 =	simm.s32 $0x80;
	v1 =	vld.idx.msk [tilespmem:v1+s3+$0x0], $0xffff  }
.LBB2_3:
0x14c: {  	p1 =	sne.s32 s25, $0x3080;
	v2 =	vld [tilespmem:s24+$0x400];
	_ =	sdelay $0x3  }
.Ltmp5:
0x14d: {  	(pc) =	sbr.rel @p1 .LBB2_3-.Ltmp5, $3  }
0x14e: {  	v1 =	vadd.f32 v0, v1;
	_ =	sdelay $0x1  }
0x14f: {  	v0 =	vld [tilespmem:s24+$0x1E00];
	[tilespmem:s23+$0x2B00] =	vst v1;
	s23 =	smov.u32 s24  }
0x150: {  	s24 =	sshra.s32 s25, $0x2;
	s25 =	sadd.s32 $0x40, s25;
	v1 =	vld.idx.msk [tilespmem:v2+s3+$0x0], $0xffff  }
0x151: {  	v2 =	vld [tilespmem:s24+$0x400];
	_ =	sdelay $0x4  }
0x152: {  	v0 =	vadd.f32 v0, v1;
	_ =	sdelay $0x1  }
0x153: {  	v63 =	vld [tilespmem:s24+$0x1E00];
	[tilespmem:s23+$0x2B00] =	vst v0  }
0x154: {  	v0 =	vld.idx.msk [tilespmem:v2+s3+$0x0], $0xffff;
	_ =	sdelay $0x4  }
0x155: {  	v0 =	vadd.f32 v63, v0;
	_ =	sdelay $0x1  }
.Ltmp6:
0x156: {  	s25 =	rddreg [dreg:$0x7];
	[tilespmem:s24+$0x2B00] =	vst v0;
	(pc) =	sbr.rel .LBB2_8-.Ltmp6, $4  }
0x157: {  	[hbm4b:s25+s3] =	stream.linear.scatter [tilespmem:s21], [sflag:$0x5], $0xC30, $0x38;
	[tilespmem:$0x3800] =	vst v63  }
0x158: {  	_ =	swait.ge [sflag:s10], $0xC30  }
0x159: {  	[sflag:s10] =	ssyncset.done $0x0  }
0x15a: {  	[sflag:s10] =	ssyncadd.s32 $0xFFFFF3D0  }
.LBB2_9:
0x15b: {  	_ =	sfence.sel $0x180000  }
0x15c: {  	[bflag:$0x0] =	sbarrier.arrive $0xFFFF  }
0x15d: {  	_ =	strace $0x90000047  }
0x15e: {  	s0 =	stileid.u32;
	[bflag:$0x2] =	sbarrier.arrive $0xFFFF  }
0x15f: {  	p0 =	sne.s32 s0, $0x0;
	s0 =	rddreg [dreg:$0x4]  }
0x160: {  	s0 =	sadd.s32 @!p0 $0x100000, s0  }
0x161: {  	[sflag:s0] =	ssyncadd.tile.s32 @!p0 $0x1;
	_ =	shalt  }
.Lfunc_end2:
_tile_overlayer_lowered:
.L_overlay_start_2:
0x162: {  	(tag) =	ssettag $0x2  }
0x163: {  	s0 =	rddreg [dreg:$0x0];
	s2 =	stileid.u32  }
0x164: {  	s1 =	rddreg [dreg:$0x1];
	p0 =	sne.s32 s2, $0x0  }
0x165: {  	s3 =	rddreg [dreg:$0x2];
	[bflag:$0x3] =	sbarrier.arrive $0xFFFF;
	s2 =	simm.s32 @!p0 $0x1C05  }
0x166: {  	[timem:s3], [sflag:s2] =	dma.local @!p0 [hbm:s0], s1  }
0x167: {  	s0 =	simm.s32 @!p0 $0x5  }
0x168: {  	_ =	swait.ge @!p0 [sflag:s0], s1  }
0x169: {  	s1 =	ssub.s32 @!p0 $0x0, s1;
	[sflag:s0] =	ssyncset.done @!p0 $0x0  }
0x16a: {  	[sflag:s0] =	ssyncadd.s32 @!p0 s1  }
0x16b: {  	[bflag:$0x3] =	sbarrier.arrive $0xFFFF  }
0x16c: {  	_ =	shalt  }

</sc_bundles>
